<compile_context>
chip_gen: v7x
topology: tpu7x:2x2x1
jax: 0.10.2.dev20260603
libtpu: 0.0.44.dev20260713+nightly
codegen_flags: <defaults>
</compile_context>

<pallas_src>
import jax
import jax.numpy as jnp
from jax import lax
from jax.experimental import pallas as pl
from jax.experimental.pallas import tpu as pltpu
from jax.experimental.pallas import tpu_sc as plsc

B, S, D = 16, 2048, 256
N = B * S
NC, NS, L = 2, 16, 16
NW = NC * NS

TC_BLK = 2048
N_SC = 16384
N_TC = N - N_SC
TC_GRID = N_TC // TC_BLK

ROWS_PER_W = N_SC // NW
CHUNK = 64
NCHUNK = ROWS_PER_W // CHUNK
VECS = D // L


def _sc_body(recon_hbm, target_hbm, maskf_hbm, out_hbm,
             rbuf0, rbuf1, tbuf0, tbuf1, mbuf, obuf, sem0, sem1):
    wid = lax.axis_index("s") * NC + lax.axis_index("c")
    base = N_TC + wid * ROWS_PER_W
    pltpu.sync_copy(maskf_hbm.at[pl.ds(base, ROWS_PER_W)],
                    mbuf.at[pl.ds(0, ROWS_PER_W)])

    rbufs = (rbuf0, rbuf1)
    tbufs = (tbuf0, tbuf1)
    sems = (sem0, sem1)

    def issue(c, b):
        row0 = base + c * CHUNK
        pltpu.async_copy(recon_hbm.at[pl.ds(row0, CHUNK)], rbufs[b], sems[b])
        pltpu.async_copy(target_hbm.at[pl.ds(row0, CHUNK)], tbufs[b], sems[b])

    def wait(c, b):
        row0 = base + c * CHUNK
        pltpu.make_async_copy(
            recon_hbm.at[pl.ds(row0, CHUNK)], rbufs[b], sems[b]).wait()
        pltpu.make_async_copy(
            target_hbm.at[pl.ds(row0, CHUNK)], tbufs[b], sems[b]).wait()

    issue(0, 0)
    issue(1, 1)

    def compute_chunk(c, b, carry):
        rb, tb = rbufs[b], tbufs[b]

        @plsc.parallel_loop(0, CHUNK, unroll=1, carry=carry)
        def loop(r, carry):
            acc0, acc1, cnt = carry
            w = mbuf[pl.ds(c * CHUNK + r, L)][0]
            cnt = cnt + w
            for v in range(VECS):
                d = rb[r, pl.ds(v * L, L)] - tb[r, pl.ds(v * L, L)]
                wd = w * d
                if v % 2 == 0:
                    acc0 = acc0 + wd * wd
                else:
                    acc1 = acc1 + wd * wd
            return acc0, acc1, cnt

        return loop

    def pair_step(p, carry):
        for b in range(2):
            c = 2 * p + b
            wait(c, b)

            @pl.when(c < NCHUNK - 2)
            def _():
                issue(c + 2, b)

            carry = compute_chunk(c, b, carry)
        return carry

    acc0, acc1, cnt = lax.fori_loop(
        0,
        NCHUNK // 2,
        pair_step,
        (jnp.zeros((L,), jnp.float32), jnp.zeros((L,), jnp.float32),
         jnp.float32(0.0)),
    )
    obuf[pl.ds(0, L)] = acc0 + acc1
    obuf[pl.ds(L, L)] = jnp.full((L,), cnt, jnp.float32)
    pltpu.sync_copy(obuf, out_hbm.at[wid])


def _sc_call(recon, target, maskf):
    mesh = plsc.VectorSubcoreMesh(core_axis_name="c", subcore_axis_name="s")
    return pl.kernel(
        _sc_body,
        out_type=jax.ShapeDtypeStruct((NW, 2 * L), jnp.float32),
        mesh=mesh,
        compiler_params=pltpu.CompilerParams(use_tc_tiling_on_sc=True),
        scratch_types=[
            pltpu.VMEM((CHUNK, D), jnp.float32),
            pltpu.VMEM((CHUNK, D), jnp.float32),
            pltpu.VMEM((CHUNK, D), jnp.float32),
            pltpu.VMEM((CHUNK, D), jnp.float32),
            pltpu.VMEM((ROWS_PER_W + L,), jnp.float32),
            pltpu.VMEM((2 * L,), jnp.float32),
            pltpu.SemaphoreType.DMA,
            pltpu.SemaphoreType.DMA,
        ],
    )(recon, target, maskf)


def _tc_body(r_ref, t_ref, m_ref, out_ref, acc_ref, cnt_ref):
    i = pl.program_id(0)

    @pl.when(i == 0)
    def _():
        acc_ref[0] = 0.0
        cnt_ref[0] = 0.0

    d = r_ref[...] - t_ref[...]
    m = m_ref[...]
    wd = m[..., None] * d
    acc_ref[0] += jnp.sum(wd * d)
    cnt_ref[0] += jnp.sum(m)

    @pl.when(i == TC_GRID - 1)
    def _():
        out_ref[0] = acc_ref[0]
        out_ref[1] = cnt_ref[0]


def _tc_call(recon, target, maskf):
    recon3 = recon.reshape(N // 8, 8, D)
    target3 = target.reshape(N // 8, 8, D)
    mask2 = maskf.reshape(N // 8, 8)
    blk = TC_BLK // 8
    return pl.pallas_call(
        _tc_body,
        grid=(TC_GRID,),
        in_specs=[
            pl.BlockSpec((blk, 8, D), lambda i: (i, 0, 0)),
            pl.BlockSpec((blk, 8, D), lambda i: (i, 0, 0)),
            pl.BlockSpec((blk, 8), lambda i: (i, 0)),
        ],
        out_specs=pl.BlockSpec(memory_space=pltpu.SMEM),
        out_shape=jax.ShapeDtypeStruct((2,), jnp.float32),
        scratch_shapes=[
            pltpu.SMEM((1,), jnp.float32),
            pltpu.SMEM((1,), jnp.float32),
        ],
        compiler_params=pltpu.CompilerParams(
            dimension_semantics=("arbitrary",)),
    )(recon3, target3, mask2)


@jax.jit
def kernel(kin_recon, kin_target, mask):
    recon = kin_recon.reshape(N, D)
    target = kin_target.reshape(N, D)
    maskf = mask.reshape(N).astype(jnp.float32)

    sc_out = _sc_call(recon, target, maskf)
    tc_out = _tc_call(recon, target, maskf)

    sums = sc_out[:, :L].sum() + tc_out[0]
    count = sc_out[:, L].sum() + tc_out[1]
    return sums / jnp.maximum(count * D, 1.0)

# --- scband reference (transcript-rebuilt; emitter-appended) ---
"""Pipeline reference for scband-masked-reconstruction-loss-26061861552856 (READ-ONLY COPY).

The authoritative reference and input builder live on the scoring server;
editing this copy changes nothing except your own understanding.
"""

import jax, jax.numpy as jnp
import numpy as np


def setup_inputs(seed: int = 0) -> dict:
    key = jax.random.key(seed)
    k1, k2, k3 = jax.random.split(key, 3)
    B, S, D = 16, 2048, 256
    kin_recon = jax.random.normal(k1, (B, S, D), dtype=jnp.float32)
    kin_target = jax.random.normal(k2, (B, S, D), dtype=jnp.float32)
    mask = jax.random.randint(k3, (B, S), 0, 2).astype(jnp.bool_)
    return {"kin_recon": kin_recon, "kin_target": kin_target, "mask": mask}


def reference(kin_recon, kin_target, mask):
    # F.mse_loss(kin_recon[mask], kin_target[mask]) == mean of squared error over
    # all elements selected by the frame-level mask. kin_recon[mask] has shape
    # [n_masked, D], so the denominator is n_masked * D.
    m = mask.astype(jnp.float32)[..., None]  # [B, S, 1]
    sq = (kin_recon - kin_target) ** 2        # [B, S, D]
    d = kin_recon.shape[-1]
    n_elems = jnp.maximum(m.sum() * d, 1.0)
    loss = (sq * m).sum() / n_elems
    return loss

if __name__ == "__main__":
    import jax
    _d = setup_inputs()
    print(jax.jit(kernel)(*tuple(_d.values())))

</pallas_src>

<mosaic_0001>
#map = affine_map<(d0, d1) -> (0, 0)>
#map1 = affine_map<(d0, d1) -> (0)>
module attributes {stable_mosaic.version = 14 : i64} {
  func.func @_sc_body(%arg0: i32, %arg1: i32, %arg2: memref<32768x256xf32, #tpu.memory_space<hbm>>, %arg3: memref<32768x256xf32, #tpu.memory_space<hbm>>, %arg4: memref<32768xf32, #tpu.memory_space<hbm>>, %arg5: memref<32x32xf32, #tpu.memory_space<hbm>>, %arg6: memref<64x256xf32, #tpu.memory_space<vmem>>, %arg7: memref<64x256xf32, #tpu.memory_space<vmem>>, %arg8: memref<64x256xf32, #tpu.memory_space<vmem>>, %arg9: memref<64x256xf32, #tpu.memory_space<vmem>>, %arg10: memref<528xf32, #tpu.memory_space<vmem>>, %arg11: memref<32xf32, #tpu.memory_space<vmem>>, %arg12: memref<!tpu.dma_semaphore, #tpu.memory_space<semaphore_mem>>, %arg13: memref<!tpu.dma_semaphore, #tpu.memory_space<semaphore_mem>>) attributes {dimension_semantics = [#tpu.dimension_semantics<core_parallel>, #tpu.dimension_semantics<subcore_parallel>], iteration_bounds = array<i64: 2, 16>, scalar_prefetch = 0 : i64, scratch_operands = 8 : i64, tpu.core_type = #tpu.core_type<sc_vector_subcore>, window_params = [{transform_indices = #map}, {transform_indices = #map}, {transform_indices = #map1}, {transform_indices = #map}]} {
    %mul3A = arith.constant 2 : i32
    %mul3A_0 = arith.muli %arg1, %mul3A : i32
    %add3A = arith.addi %mul3A_0, %arg0 : i32
    %mul3A_1 = arith.constant 512 : i32
    %mul3A_2 = arith.muli %add3A, %mul3A_1 : i32
    %add3A_3 = arith.constant 16384 : i32
    %add3A_4 = arith.addi %add3A_3, %mul3A_2 : i32
    "tpu.region"() ({
      %run_scoped3A = tpu.sem_alloc : memref<!tpu.dma_semaphore, #tpu.memory_space<semaphore_mem>>
      %dma_start3A_42 = arith.constant 0 : i32
      %dma_start3A_43 = tpu.memref_slice %arg10[%dma_start3A_42] : memref<528xf32, #tpu.memory_space<vmem>> -> memref<512xf32, #tpu.memory_space<vmem>>
      %dma_start3A_44 = tpu.memref_slice %arg4[%add3A_4] : memref<32768xf32, #tpu.memory_space<hbm>> -> memref<512xf32, #tpu.memory_space<hbm>>
      %dma_start3A_45 = arith.constant 0 : i32
      %dma_start3A_46 = tpu.memref_slice %arg10[%dma_start3A_45] : memref<528xf32, #tpu.memory_space<vmem>> -> memref<512xf32, #tpu.memory_space<vmem>>
      %dma_start3A_47 = tpu.memref_slice %arg4[%add3A_4] : memref<32768xf32, #tpu.memory_space<hbm>> -> memref<512xf32, #tpu.memory_space<hbm>>
      tpu.enqueue_dma source(%dma_start3A_47 : memref<512xf32, #tpu.memory_space<hbm>>) target(%dma_start3A_46 : memref<512xf32, #tpu.memory_space<vmem>>) target_semaphore(%run_scoped3A : memref<!tpu.dma_semaphore, #tpu.memory_space<semaphore_mem>>)
      %dma_wait3A = arith.constant 0 : i32
      %dma_wait3A_48 = tpu.memref_slice %arg10[%dma_wait3A] : memref<528xf32, #tpu.memory_space<vmem>> -> memref<512xf32, #tpu.memory_space<vmem>>
      %dma_wait3A_49 = tpu.memref_slice %arg4[%add3A_4] : memref<32768xf32, #tpu.memory_space<hbm>> -> memref<512xf32, #tpu.memory_space<hbm>>
      %dma_wait3A_50 = arith.constant 0 : i32
      %dma_wait3A_51 = tpu.memref_slice %arg10[%dma_wait3A_50] : memref<528xf32, #tpu.memory_space<vmem>> -> memref<512xf32, #tpu.memory_space<vmem>>
      %dma_wait3A_52 = tpu.memref_slice %arg4[%add3A_4] : memref<32768xf32, #tpu.memory_space<hbm>> -> memref<512xf32, #tpu.memory_space<hbm>>
      tpu.wait_dma2 semaphore(%run_scoped3A : memref<!tpu.dma_semaphore, #tpu.memory_space<semaphore_mem>>) src(%dma_wait3A_52 : memref<512xf32, #tpu.memory_space<hbm>>) dst(%dma_wait3A_51 : memref<512xf32, #tpu.memory_space<vmem>>)
      tpu.yield
    }) : () -> ()
    %add3A_5 = arith.constant 0 : i32
    %add3A_6 = arith.addi %add3A_4, %add3A_5 : i32
    %dma_start3A = arith.constant 0 : i32
    %dma_start3A_7 = tpu.memref_slice %arg2[%add3A_6, %dma_start3A] : memref<32768x256xf32, #tpu.memory_space<hbm>> -> memref<64x256xf32, #tpu.memory_space<hbm>>
    %dma_start3A_8 = arith.constant 0 : i32
    %dma_start3A_9 = tpu.memref_slice %arg2[%add3A_6, %dma_start3A_8] : memref<32768x256xf32, #tpu.memory_space<hbm>> -> memref<64x256xf32, #tpu.memory_space<hbm>>
    tpu.enqueue_dma source(%dma_start3A_9 : memref<64x256xf32, #tpu.memory_space<hbm>>) target(%arg6 : memref<64x256xf32, #tpu.memory_space<vmem>>) target_semaphore(%arg12 : memref<!tpu.dma_semaphore, #tpu.memory_space<semaphore_mem>>)
    %dma_start3A_10 = arith.constant 0 : i32
    %dma_start3A_11 = tpu.memref_slice %arg3[%add3A_6, %dma_start3A_10] : memref<32768x256xf32, #tpu.memory_space<hbm>> -> memref<64x256xf32, #tpu.memory_space<hbm>>
    %dma_start3A_12 = arith.constant 0 : i32
    %dma_start3A_13 = tpu.memref_slice %arg3[%add3A_6, %dma_start3A_12] : memref<32768x256xf32, #tpu.memory_space<hbm>> -> memref<64x256xf32, #tpu.memory_space<hbm>>
    tpu.enqueue_dma source(%dma_start3A_13 : memref<64x256xf32, #tpu.memory_space<hbm>>) target(%arg8 : memref<64x256xf32, #tpu.memory_space<vmem>>) target_semaphore(%arg12 : memref<!tpu.dma_semaphore, #tpu.memory_space<semaphore_mem>>)
    %add3A_14 = arith.constant 64 : i32
    %add3A_15 = arith.addi %add3A_4, %add3A_14 : i32
    %dma_start3A_16 = arith.constant 0 : i32
    %dma_start3A_17 = tpu.memref_slice %arg2[%add3A_15, %dma_start3A_16] : memref<32768x256xf32, #tpu.memory_space<hbm>> -> memref<64x256xf32, #tpu.memory_space<hbm>>
    %dma_start3A_18 = arith.constant 0 : i32
    %dma_start3A_19 = tpu.memref_slice %arg2[%add3A_15, %dma_start3A_18] : memref<32768x256xf32, #tpu.memory_space<hbm>> -> memref<64x256xf32, #tpu.memory_space<hbm>>
    tpu.enqueue_dma source(%dma_start3A_19 : memref<64x256xf32, #tpu.memory_space<hbm>>) target(%arg7 : memref<64x256xf32, #tpu.memory_space<vmem>>) target_semaphore(%arg13 : memref<!tpu.dma_semaphore, #tpu.memory_space<semaphore_mem>>)
    %dma_start3A_20 = arith.constant 0 : i32
    %dma_start3A_21 = tpu.memref_slice %arg3[%add3A_15, %dma_start3A_20] : memref<32768x256xf32, #tpu.memory_space<hbm>> -> memref<64x256xf32, #tpu.memory_space<hbm>>
    %dma_start3A_22 = arith.constant 0 : i32
    %dma_start3A_23 = tpu.memref_slice %arg3[%add3A_15, %dma_start3A_22] : memref<32768x256xf32, #tpu.memory_space<hbm>> -> memref<64x256xf32, #tpu.memory_space<hbm>>
    tpu.enqueue_dma source(%dma_start3A_23 : memref<64x256xf32, #tpu.memory_space<hbm>>) target(%arg9 : memref<64x256xf32, #tpu.memory_space<vmem>>) target_semaphore(%arg13 : memref<!tpu.dma_semaphore, #tpu.memory_space<semaphore_mem>>)
    %broadcast_in_dim3A = arith.constant 0.000000e+00 : f32
    %broadcast_in_dim3A_24 = vector.broadcast %broadcast_in_dim3A : f32 to vector<16xf32>
    %broadcast_in_dim3A_25 = arith.constant 0.000000e+00 : f32
    %broadcast_in_dim3A_26 = vector.broadcast %broadcast_in_dim3A_25 : f32 to vector<16xf32>
    %scan3A = arith.constant 0.000000e+00 : f32
    %scan3A_27 = arith.constant 0 : i32
    %scan3A_28 = arith.constant 4 : i32
    %scan3A_29 = arith.addi %scan3A_27, %scan3A_28 : i32
    %scan3A_30 = arith.constant 1 : i32
    %scan3A_31:3 = scf.for %scan3A_42 = %scan3A_27 to %scan3A_29 step %scan3A_30 iter_args(%scan3A_43 = %broadcast_in_dim3A_24, %scan3A_44 = %broadcast_in_dim3A_26, %scan3A_45 = %scan3A) -> (vector<16xf32>, vector<16xf32>, f32)  : i32 {
      %mul3A_46 = arith.constant 2 : i32
      %mul3A_47 = arith.muli %mul3A_46, %scan3A_42 : i32
      %add3A_48 = arith.constant 0 : i32
      %add3A_49 = arith.addi %mul3A_47, %add3A_48 : i32
      %mul3A_50 = arith.constant 64 : i32
      %mul3A_51 = arith.muli %add3A_49, %mul3A_50 : i32
      %add3A_52 = arith.addi %add3A_4, %mul3A_51 : i32
      %dma_wait3A = arith.constant 0 : i32
      %dma_wait3A_53 = tpu.memref_slice %arg2[%add3A_52, %dma_wait3A] : memref<32768x256xf32, #tpu.memory_space<hbm>> -> memref<64x256xf32, #tpu.memory_space<hbm>>
      %dma_wait3A_54 = arith.constant 0 : i32
      %dma_wait3A_55 = tpu.memref_slice %arg2[%add3A_52, %dma_wait3A_54] : memref<32768x256xf32, #tpu.memory_space<hbm>> -> memref<64x256xf32, #tpu.memory_space<hbm>>
      tpu.wait_dma2 semaphore(%arg12 : memref<!tpu.dma_semaphore, #tpu.memory_space<semaphore_mem>>) src(%dma_wait3A_55 : memref<64x256xf32, #tpu.memory_space<hbm>>) dst(%arg6 : memref<64x256xf32, #tpu.memory_space<vmem>>)
      %dma_wait3A_56 = arith.constant 0 : i32
      %dma_wait3A_57 = tpu.memref_slice %arg3[%add3A_52, %dma_wait3A_56] : memref<32768x256xf32, #tpu.memory_space<hbm>> -> memref<64x256xf32, #tpu.memory_space<hbm>>
      %dma_wait3A_58 = arith.constant 0 : i32
      %dma_wait3A_59 = tpu.memref_slice %arg3[%add3A_52, %dma_wait3A_58] : memref<32768x256xf32, #tpu.memory_space<hbm>> -> memref<64x256xf32, #tpu.memory_space<hbm>>
      tpu.wait_dma2 semaphore(%arg12 : memref<!tpu.dma_semaphore, #tpu.memory_space<semaphore_mem>>) src(%dma_wait3A_59 : memref<64x256xf32, #tpu.memory_space<hbm>>) dst(%arg8 : memref<64x256xf32, #tpu.memory_space<vmem>>)
      %lt3A = arith.constant 6 : i32
      %lt3A_60 = arith.cmpi slt, %add3A_49, %lt3A : i32
      %convert_element_type3A = arith.extui %lt3A_60 : i1 to i32
      %cond3A = arith.constant 0 : i32
      %cond3A_61 = arith.cmpi ne, %convert_element_type3A, %cond3A : i32
      scf.if %cond3A_61 {
        %add3A_89 = arith.constant 2 : i32
        %add3A_90 = arith.addi %add3A_49, %add3A_89 : i32
        %mul3A_91 = arith.constant 64 : i32
        %mul3A_92 = arith.muli %add3A_90, %mul3A_91 : i32
        %add3A_93 = arith.addi %add3A_4, %mul3A_92 : i32
        %dma_start3A_94 = arith.constant 0 : i32
        %dma_start3A_95 = tpu.memref_slice %arg2[%add3A_93, %dma_start3A_94] : memref<32768x256xf32, #tpu.memory_space<hbm>> -> memref<64x256xf32, #tpu.memory_space<hbm>>
        %dma_start3A_96 = arith.constant 0 : i32
        %dma_start3A_97 = tpu.memref_slice %arg2[%add3A_93, %dma_start3A_96] : memref<32768x256xf32, #tpu.memory_space<hbm>> -> memref<64x256xf32, #tpu.memory_space<hbm>>
        tpu.enqueue_dma source(%dma_start3A_97 : memref<64x256xf32, #tpu.memory_space<hbm>>) target(%arg6 : memref<64x256xf32, #tpu.memory_space<vmem>>) target_semaphore(%arg12 : memref<!tpu.dma_semaphore, #tpu.memory_space<semaphore_mem>>)
        %dma_start3A_98 = arith.constant 0 : i32
        %dma_start3A_99 = tpu.memref_slice %arg3[%add3A_93, %dma_start3A_98] : memref<32768x256xf32, #tpu.memory_space<hbm>> -> memref<64x256xf32, #tpu.memory_space<hbm>>
        %dma_start3A_100 = arith.constant 0 : i32
        %dma_start3A_101 = tpu.memref_slice %arg3[%add3A_93, %dma_start3A_100] : memref<32768x256xf32, #tpu.memory_space<hbm>> -> memref<64x256xf32, #tpu.memory_space<hbm>>
        tpu.enqueue_dma source(%dma_start3A_101 : memref<64x256xf32, #tpu.memory_space<hbm>>) target(%arg8 : memref<64x256xf32, #tpu.memory_space<vmem>>) target_semaphore(%arg12 : memref<!tpu.dma_semaphore, #tpu.memory_space<semaphore_mem>>)
      } else {
      }
      %parallel_loop3A = arith.constant 0 : i32
      %parallel_loop3A_62 = arith.constant 64 : i32
      %parallel_loop3A_63 = arith.constant 1 : i32
      %parallel_loop3A_64:3 = scf.for %parallel_loop3A_89 = %parallel_loop3A to %parallel_loop3A_62 step %parallel_loop3A_63 iter_args(%parallel_loop3A_90 = %scan3A_43, %parallel_loop3A_91 = %scan3A_44, %parallel_loop3A_92 = %scan3A_45) -> (vector<16xf32>, vector<16xf32>, f32)  : i32 {
        %parallel_loop3A_93 = arith.constant 64 : i32
        %parallel_loop3A_94 = arith.muli %add3A_49, %parallel_loop3A_93 : i32
        %parallel_loop3A_95 = arith.addi %parallel_loop3A_94, %parallel_loop3A_89 : i32
        %parallel_loop3A_96 = arith.index_cast %parallel_loop3A_95 : i32 to index
        %parallel_loop3A_97 = tpu.vector_load %arg10[%parallel_loop3A_96] {strides = array<i32>} : memref<528xf32, #tpu.memory_space<vmem>>, vector<16xf32>,
        %parallel_loop3A_98 = vector.shape_cast %parallel_loop3A_97 : vector<16xf32> to vector<16xf32>
        %parallel_loop3A_99 = vector.extract_strided_slice %parallel_loop3A_98 {offsets = [0], sizes = [1], strides = [1]} : vector<16xf32> to vector<1xf32>
        %parallel_loop3A_100 = vector.extract %parallel_loop3A_99[0] : f32 from vector<1xf32>
        %parallel_loop3A_101 = arith.addf %parallel_loop3A_92, %parallel_loop3A_100 : f32
        %parallel_loop3A_102 = arith.index_cast %parallel_loop3A_89 : i32 to index
        %parallel_loop3A_103 = arith.constant 0 : index
        %parallel_loop3A_104 = tpu.vector_load %arg6[%parallel_loop3A_102, %parallel_loop3A_103] {strides = array<i32>} : memref<64x256xf32, #tpu.memory_space<vmem>>, vector<1x16xf32>,
        %parallel_loop3A_105 = vector.shape_cast %parallel_loop3A_104 : vector<1x16xf32> to vector<16xf32>
        %parallel_loop3A_106 = arith.index_cast %parallel_loop3A_89 : i32 to index
        %parallel_loop3A_107 = arith.constant 0 : index
        %parallel_loop3A_108 = tpu.vector_load %arg8[%parallel_loop3A_106, %parallel_loop3A_107] {strides = array<i32>} : memref<64x256xf32, #tpu.memory_space<vmem>>, vector<1x16xf32>,
        %parallel_loop3A_109 = vector.shape_cast %parallel_loop3A_108 : vector<1x16xf32> to vector<16xf32>
        %parallel_loop3A_110 = arith.subf %parallel_loop3A_105, %parallel_loop3A_109 : vector<16xf32>
        %parallel_loop3A_111 = vector.broadcast %parallel_loop3A_100 : f32 to vector<16xf32>
        %parallel_loop3A_112 = arith.mulf %parallel_loop3A_111, %parallel_loop3A_110 : vector<16xf32>
        %parallel_loop3A_113 = arith.mulf %parallel_loop3A_112, %parallel_loop3A_112 : vector<16xf32>
        %parallel_loop3A_114 = arith.addf %parallel_loop3A_90, %parallel_loop3A_113 : vector<16xf32>
        %parallel_loop3A_115 = arith.index_cast %parallel_loop3A_89 : i32 to index
        %parallel_loop3A_116 = arith.constant 16 : index
        %parallel_loop3A_117 = tpu.vector_load %arg6[%parallel_loop3A_115, %parallel_loop3A_116] {strides = array<i32>} : memref<64x256xf32, #tpu.memory_space<vmem>>, vector<1x16xf32>,
        %parallel_loop3A_118 = vector.shape_cast %parallel_loop3A_117 : vector<1x16xf32> to vector<16xf32>
        %parallel_loop3A_119 = arith.index_cast %parallel_loop3A_89 : i32 to index
        %parallel_loop3A_120 = arith.constant 16 : index
        %parallel_loop3A_121 = tpu.vector_load %arg8[%parallel_loop3A_119, %parallel_loop3A_120] {strides = array<i32>} : memref<64x256xf32, #tpu.memory_space<vmem>>, vector<1x16xf32>,
        %parallel_loop3A_122 = vector.shape_cast %parallel_loop3A_121 : vector<1x16xf32> to vector<16xf32>
        %parallel_loop3A_123 = arith.subf %parallel_loop3A_118, %parallel_loop3A_122 : vector<16xf32>
        %parallel_loop3A_124 = vector.broadcast %parallel_loop3A_100 : f32 to vector<16xf32>
        %parallel_loop3A_125 = arith.mulf %parallel_loop3A_124, %parallel_loop3A_123 : vector<16xf32>
        %parallel_loop3A_126 = arith.mulf %parallel_loop3A_125, %parallel_loop3A_125 : vector<16xf32>
        %parallel_loop3A_127 = arith.addf %parallel_loop3A_91, %parallel_loop3A_126 : vector<16xf32>
        %parallel_loop3A_128 = arith.index_cast %parallel_loop3A_89 : i32 to index
        %parallel_loop3A_129 = arith.constant 32 : index
        %parallel_loop3A_130 = tpu.vector_load %arg6[%parallel_loop3A_128, %parallel_loop3A_129] {strides = array<i32>} : memref<64x256xf32, #tpu.memory_space<vmem>>, vector<1x16xf32>,
        %parallel_loop3A_131 = vector.shape_cast %parallel_loop3A_130 : vector<1x16xf32> to vector<16xf32>
        %parallel_loop3A_132 = arith.index_cast %parallel_loop3A_89 : i32 to index
        %parallel_loop3A_133 = arith.constant 32 : index
        %parallel_loop3A_134 = tpu.vector_load %arg8[%parallel_loop3A_132, %parallel_loop3A_133] {strides = array<i32>} : memref<64x256xf32, #tpu.memory_space<vmem>>, vector<1x16xf32>,
        %parallel_loop3A_135 = vector.shape_cast %parallel_loop3A_134 : vector<1x16xf32> to vector<16xf32>
        %parallel_loop3A_136 = arith.subf %parallel_loop3A_131, %parallel_loop3A_135 : vector<16xf32>
        %parallel_loop3A_137 = vector.broadcast %parallel_loop3A_100 : f32 to vector<16xf32>
        %parallel_loop3A_138 = arith.mulf %parallel_loop3A_137, %parallel_loop3A_136 : vector<16xf32>
        %parallel_loop3A_139 = arith.mulf %parallel_loop3A_138, %parallel_loop3A_138 : vector<16xf32>
        %parallel_loop3A_140 = arith.addf %parallel_loop3A_114, %parallel_loop3A_139 : vector<16xf32>
        %parallel_loop3A_141 = arith.index_cast %parallel_loop3A_89 : i32 to index
        %parallel_loop3A_142 = arith.constant 48 : index
        %parallel_loop3A_143 = tpu.vector_load %arg6[%parallel_loop3A_141, %parallel_loop3A_142] {strides = array<i32>} : memref<64x256xf32, #tpu.memory_space<vmem>>, vector<1x16xf32>,
        %parallel_loop3A_144 = vector.shape_cast %parallel_loop3A_143 : vector<1x16xf32> to vector<16xf32>
        %parallel_loop3A_145 = arith.index_cast %parallel_loop3A_89 : i32 to index
        %parallel_loop3A_146 = arith.constant 48 : index
        %parallel_loop3A_147 = tpu.vector_load %arg8[%parallel_loop3A_145, %parallel_loop3A_146] {strides = array<i32>} : memref<64x256xf32, #tpu.memory_space<vmem>>, vector<1x16xf32>,
        %parallel_loop3A_148 = vector.shape_cast %parallel_loop3A_147 : vector<1x16xf32> to vector<16xf32>
        %parallel_loop3A_149 = arith.subf %parallel_loop3A_144, %parallel_loop3A_148 : vector<16xf32>
        %parallel_loop3A_150 = vector.broadcast %parallel_loop3A_100 : f32 to vector<16xf32>
        %parallel_loop3A_151 = arith.mulf %parallel_loop3A_150, %parallel_loop3A_149 : vector<16xf32>
        %parallel_loop3A_152 = arith.mulf %parallel_loop3A_151, %parallel_loop3A_151 : vector<16xf32>
        %parallel_loop3A_153 = arith.addf %parallel_loop3A_127, %parallel_loop3A_152 : vector<16xf32>
        %parallel_loop3A_154 = arith.index_cast %parallel_loop3A_89 : i32 to index
        %parallel_loop3A_155 = arith.constant 64 : index
        %parallel_loop3A_156 = tpu.vector_load %arg6[%parallel_loop3A_154, %parallel_loop3A_155] {strides = array<i32>} : memref<64x256xf32, #tpu.memory_space<vmem>>, vector<1x16xf32>,
        %parallel_loop3A_157 = vector.shape_cast %parallel_loop3A_156 : vector<1x16xf32> to vector<16xf32>
        %parallel_loop3A_158 = arith.index_cast %parallel_loop3A_89 : i32 to index
        %parallel_loop3A_159 = arith.constant 64 : index
        %parallel_loop3A_160 = tpu.vector_load %arg8[%parallel_loop3A_158, %parallel_loop3A_159] {strides = array<i32>} : memref<64x256xf32, #tpu.memory_space<vmem>>, vector<1x16xf32>,
        %parallel_loop3A_161 = vector.shape_cast %parallel_loop3A_160 : vector<1x16xf32> to vector<16xf32>
        %parallel_loop3A_162 = arith.subf %parallel_loop3A_157, %parallel_loop3A_161 : vector<16xf32>
        %parallel_loop3A_163 = vector.broadcast %parallel_loop3A_100 : f32 to vector<16xf32>
        %parallel_loop3A_164 = arith.mulf %parallel_loop3A_163, %parallel_loop3A_162 : vector<16xf32>
        %parallel_loop3A_165 = arith.mulf %parallel_loop3A_164, %parallel_loop3A_164 : vector<16xf32>
        %parallel_loop3A_166 = arith.addf %parallel_loop3A_140, %parallel_loop3A_165 : vector<16xf32>
        %parallel_loop3A_167 = arith.index_cast %parallel_loop3A_89 : i32 to index
        %parallel_loop3A_168 = arith.constant 80 : index
        %parallel_loop3A_169 = tpu.vector_load %arg6[%parallel_loop3A_167, %parallel_loop3A_168] {strides = array<i32>} : memref<64x256xf32, #tpu.memory_space<vmem>>, vector<1x16xf32>,
        %parallel_loop3A_170 = vector.shape_cast %parallel_loop3A_169 : vector<1x16xf32> to vector<16xf32>
        %parallel_loop3A_171 = arith.index_cast %parallel_loop3A_89 : i32 to index
        %parallel_loop3A_172 = arith.constant 80 : index
        %parallel_loop3A_173 = tpu.vector_load %arg8[%parallel_loop3A_171, %parallel_loop3A_172] {strides = array<i32>} : memref<64x256xf32, #tpu.memory_space<vmem>>, vector<1x16xf32>,
        %parallel_loop3A_174 = vector.shape_cast %parallel_loop3A_173 : vector<1x16xf32> to vector<16xf32>
        %parallel_loop3A_175 = arith.subf %parallel_loop3A_170, %parallel_loop3A_174 : vector<16xf32>
        %parallel_loop3A_176 = vector.broadcast %parallel_loop3A_100 : f32 to vector<16xf32>
        %parallel_loop3A_177 = arith.mulf %parallel_loop3A_176, %parallel_loop3A_175 : vector<16xf32>
        %parallel_loop3A_178 = arith.mulf %parallel_loop3A_177, %parallel_loop3A_177 : vector<16xf32>
        %parallel_loop3A_179 = arith.addf %parallel_loop3A_153, %parallel_loop3A_178 : vector<16xf32>
        %parallel_loop3A_180 = arith.index_cast %parallel_loop3A_89 : i32 to index
        %parallel_loop3A_181 = arith.constant 96 : index
        %parallel_loop3A_182 = tpu.vector_load %arg6[%parallel_loop3A_180, %parallel_loop3A_181] {strides = array<i32>} : memref<64x256xf32, #tpu.memory_space<vmem>>, vector<1x16xf32>,
        %parallel_loop3A_183 = vector.shape_cast %parallel_loop3A_182 : vector<1x16xf32> to vector<16xf32>
        %parallel_loop3A_184 = arith.index_cast %parallel_loop3A_89 : i32 to index
        %parallel_loop3A_185 = arith.constant 96 : index
        %parallel_loop3A_186 = tpu.vector_load %arg8[%parallel_loop3A_184, %parallel_loop3A_185] {strides = array<i32>} : memref<64x256xf32, #tpu.memory_space<vmem>>, vector<1x16xf32>,
        %parallel_loop3A_187 = vector.shape_cast %parallel_loop3A_186 : vector<1x16xf32> to vector<16xf32>
        %parallel_loop3A_188 = arith.subf %parallel_loop3A_183, %parallel_loop3A_187 : vector<16xf32>
        %parallel_loop3A_189 = vector.broadcast %parallel_loop3A_100 : f32 to vector<16xf32>
        %parallel_loop3A_190 = arith.mulf %parallel_loop3A_189, %parallel_loop3A_188 : vector<16xf32>
        %parallel_loop3A_191 = arith.mulf %parallel_loop3A_190, %parallel_loop3A_190 : vector<16xf32>
        %parallel_loop3A_192 = arith.addf %parallel_loop3A_166, %parallel_loop3A_191 : vector<16xf32>
        %parallel_loop3A_193 = arith.index_cast %parallel_loop3A_89 : i32 to index
        %parallel_loop3A_194 = arith.constant 112 : index
        %parallel_loop3A_195 = tpu.vector_load %arg6[%parallel_loop3A_193, %parallel_loop3A_194] {strides = array<i32>} : memref<64x256xf32, #tpu.memory_space<vmem>>, vector<1x16xf32>,
        %parallel_loop3A_196 = vector.shape_cast %parallel_loop3A_195 : vector<1x16xf32> to vector<16xf32>
        %parallel_loop3A_197 = arith.index_cast %parallel_loop3A_89 : i32 to index
        %parallel_loop3A_198 = arith.constant 112 : index
        %parallel_loop3A_199 = tpu.vector_load %arg8[%parallel_loop3A_197, %parallel_loop3A_198] {strides = array<i32>} : memref<64x256xf32, #tpu.memory_space<vmem>>, vector<1x16xf32>,
        %parallel_loop3A_200 = vector.shape_cast %parallel_loop3A_199 : vector<1x16xf32> to vector<16xf32>
        %parallel_loop3A_201 = arith.subf %parallel_loop3A_196, %parallel_loop3A_200 : vector<16xf32>
        %parallel_loop3A_202 = vector.broadcast %parallel_loop3A_100 : f32 to vector<16xf32>
        %parallel_loop3A_203 = arith.mulf %parallel_loop3A_202, %parallel_loop3A_201 : vector<16xf32>
        %parallel_loop3A_204 = arith.mulf %parallel_loop3A_203, %parallel_loop3A_203 : vector<16xf32>
        %parallel_loop3A_205 = arith.addf %parallel_loop3A_179, %parallel_loop3A_204 : vector<16xf32>
        %parallel_loop3A_206 = arith.index_cast %parallel_loop3A_89 : i32 to index
        %parallel_loop3A_207 = arith.constant 128 : index
        %parallel_loop3A_208 = tpu.vector_load %arg6[%parallel_loop3A_206, %parallel_loop3A_207] {strides = array<i32>} : memref<64x256xf32, #tpu.memory_space<vmem>>, vector<1x16xf32>,
        %parallel_loop3A_209 = vector.shape_cast %parallel_loop3A_208 : vector<1x16xf32> to vector<16xf32>
        %parallel_loop3A_210 = arith.index_cast %parallel_loop3A_89 : i32 to index
        %parallel_loop3A_211 = arith.constant 128 : index
        %parallel_loop3A_212 = tpu.vector_load %arg8[%parallel_loop3A_210, %parallel_loop3A_211] {strides = array<i32>} : memref<64x256xf32, #tpu.memory_space<vmem>>, vector<1x16xf32>,
        %parallel_loop3A_213 = vector.shape_cast %parallel_loop3A_212 : vector<1x16xf32> to vector<16xf32>
        %parallel_loop3A_214 = arith.subf %parallel_loop3A_209, %parallel_loop3A_213 : vector<16xf32>
        %parallel_loop3A_215 = vector.broadcast %parallel_loop3A_100 : f32 to vector<16xf32>
        %parallel_loop3A_216 = arith.mulf %parallel_loop3A_215, %parallel_loop3A_214 : vector<16xf32>
        %parallel_loop3A_217 = arith.mulf %parallel_loop3A_216, %parallel_loop3A_216 : vector<16xf32>
        %parallel_loop3A_218 = arith.addf %parallel_loop3A_192, %parallel_loop3A_217 : vector<16xf32>
        %parallel_loop3A_219 = arith.index_cast %parallel_loop3A_89 : i32 to index
        %parallel_loop3A_220 = arith.constant 144 : index
        %parallel_loop3A_221 = tpu.vector_load %arg6[%parallel_loop3A_219, %parallel_loop3A_220] {strides = array<i32>} : memref<64x256xf32, #tpu.memory_space<vmem>>, vector<1x16xf32>,
        %parallel_loop3A_222 = vector.shape_cast %parallel_loop3A_221 : vector<1x16xf32> to vector<16xf32>
        %parallel_loop3A_223 = arith.index_cast %parallel_loop3A_89 : i32 to index
        %parallel_loop3A_224 = arith.constant 144 : index
        %parallel_loop3A_225 = tpu.vector_load %arg8[%parallel_loop3A_223, %parallel_loop3A_224] {strides = array<i32>} : memref<64x256xf32, #tpu.memory_space<vmem>>, vector<1x16xf32>,
        %parallel_loop3A_226 = vector.shape_cast %parallel_loop3A_225 : vector<1x16xf32> to vector<16xf32>
        %parallel_loop3A_227 = arith.subf %parallel_loop3A_222, %parallel_loop3A_226 : vector<16xf32>
        %parallel_loop3A_228 = vector.broadcast %parallel_loop3A_100 : f32 to vector<16xf32>
        %parallel_loop3A_229 = arith.mulf %parallel_loop3A_228, %parallel_loop3A_227 : vector<16xf32>
        %parallel_loop3A_230 = arith.mulf %parallel_loop3A_229, %parallel_loop3A_229 : vector<16xf32>
        %parallel_loop3A_231 = arith.addf %parallel_loop3A_205, %parallel_loop3A_230 : vector<16xf32>
        %parallel_loop3A_232 = arith.index_cast %parallel_loop3A_89 : i32 to index
        %parallel_loop3A_233 = arith.constant 160 : index
        %parallel_loop3A_234 = tpu.vector_load %arg6[%parallel_loop3A_232, %parallel_loop3A_233] {strides = array<i32>} : memref<64x256xf32, #tpu.memory_space<vmem>>, vector<1x16xf32>,
        %parallel_loop3A_235 = vector.shape_cast %parallel_loop3A_234 : vector<1x16xf32> to vector<16xf32>
        %parallel_loop3A_236 = arith.index_cast %parallel_loop3A_89 : i32 to index
        %parallel_loop3A_237 = arith.constant 160 : index
        %parallel_loop3A_238 = tpu.vector_load %arg8[%parallel_loop3A_236, %parallel_loop3A_237] {strides = array<i32>} : memref<64x256xf32, #tpu.memory_space<vmem>>, vector<1x16xf32>,
        %parallel_loop3A_239 = vector.shape_cast %parallel_loop3A_238 : vector<1x16xf32> to vector<16xf32>
        %parallel_loop3A_240 = arith.subf %parallel_loop3A_235, %parallel_loop3A_239 : vector<16xf32>
        %parallel_loop3A_241 = vector.broadcast %parallel_loop3A_100 : f32 to vector<16xf32>
        %parallel_loop3A_242 = arith.mulf %parallel_loop3A_241, %parallel_loop3A_240 : vector<16xf32>
        %parallel_loop3A_243 = arith.mulf %parallel_loop3A_242, %parallel_loop3A_242 : vector<16xf32>
        %parallel_loop3A_244 = arith.addf %parallel_loop3A_218, %parallel_loop3A_243 : vector<16xf32>
        %parallel_loop3A_245 = arith.index_cast %parallel_loop3A_89 : i32 to index
        %parallel_loop3A_246 = arith.constant 176 : index
        %parallel_loop3A_247 = tpu.vector_load %arg6[%parallel_loop3A_245, %parallel_loop3A_246] {strides = array<i32>} : memref<64x256xf32, #tpu.memory_space<vmem>>, vector<1x16xf32>,
        %parallel_loop3A_248 = vector.shape_cast %parallel_loop3A_247 : vector<1x16xf32> to vector<16xf32>
        %parallel_loop3A_249 = arith.index_cast %parallel_loop3A_89 : i32 to index
        %parallel_loop3A_250 = arith.constant 176 : index
        %parallel_loop3A_251 = tpu.vector_load %arg8[%parallel_loop3A_249, %parallel_loop3A_250] {strides = array<i32>} : memref<64x256xf32, #tpu.memory_space<vmem>>, vector<1x16xf32>,
        %parallel_loop3A_252 = vector.shape_cast %parallel_loop3A_251 : vector<1x16xf32> to vector<16xf32>
        %parallel_loop3A_253 = arith.subf %parallel_loop3A_248, %parallel_loop3A_252 : vector<16xf32>
        %parallel_loop3A_254 = vector.broadcast %parallel_loop3A_100 : f32 to vector<16xf32>
        %parallel_loop3A_255 = arith.mulf %parallel_loop3A_254, %parallel_loop3A_253 : vector<16xf32>
        %parallel_loop3A_256 = arith.mulf %parallel_loop3A_255, %parallel_loop3A_255 : vector<16xf32>
        %parallel_loop3A_257 = arith.addf %parallel_loop3A_231, %parallel_loop3A_256 : vector<16xf32>
        %parallel_loop3A_258 = arith.index_cast %parallel_loop3A_89 : i32 to index
        %parallel_loop3A_259 = arith.constant 192 : index
        %parallel_loop3A_260 = tpu.vector_load %arg6[%parallel_loop3A_258, %parallel_loop3A_259] {strides = array<i32>} : memref<64x256xf32, #tpu.memory_space<vmem>>, vector<1x16xf32>,
        %parallel_loop3A_261 = vector.shape_cast %parallel_loop3A_260 : vector<1x16xf32> to vector<16xf32>
        %parallel_loop3A_262 = arith.index_cast %parallel_loop3A_89 : i32 to index
        %parallel_loop3A_263 = arith.constant 192 : index
        %parallel_loop3A_264 = tpu.vector_load %arg8[%parallel_loop3A_262, %parallel_loop3A_263] {strides = array<i32>} : memref<64x256xf32, #tpu.memory_space<vmem>>, vector<1x16xf32>,
        %parallel_loop3A_265 = vector.shape_cast %parallel_loop3A_264 : vector<1x16xf32> to vector<16xf32>
        %parallel_loop3A_266 = arith.subf %parallel_loop3A_261, %parallel_loop3A_265 : vector<16xf32>
        %parallel_loop3A_267 = vector.broadcast %parallel_loop3A_100 : f32 to vector<16xf32>
        %parallel_loop3A_268 = arith.mulf %parallel_loop3A_267, %parallel_loop3A_266 : vector<16xf32>
        %parallel_loop3A_269 = arith.mulf %parallel_loop3A_268, %parallel_loop3A_268 : vector<16xf32>
        %parallel_loop3A_270 = arith.addf %parallel_loop3A_244, %parallel_loop3A_269 : vector<16xf32>
        %parallel_loop3A_271 = arith.index_cast %parallel_loop3A_89 : i32 to index
        %parallel_loop3A_272 = arith.constant 208 : index
        %parallel_loop3A_273 = tpu.vector_load %arg6[%parallel_loop3A_271, %parallel_loop3A_272] {strides = array<i32>} : memref<64x256xf32, #tpu.memory_space<vmem>>, vector<1x16xf32>,
        %parallel_loop3A_274 = vector.shape_cast %parallel_loop3A_273 : vector<1x16xf32> to vector<16xf32>
        %parallel_loop3A_275 = arith.index_cast %parallel_loop3A_89 : i32 to index
        %parallel_loop3A_276 = arith.constant 208 : index
        %parallel_loop3A_277 = tpu.vector_load %arg8[%parallel_loop3A_275, %parallel_loop3A_276] {strides = array<i32>} : memref<64x256xf32, #tpu.memory_space<vmem>>, vector<1x16xf32>,
        %parallel_loop3A_278 = vector.shape_cast %parallel_loop3A_277 : vector<1x16xf32> to vector<16xf32>
        %parallel_loop3A_279 = arith.subf %parallel_loop3A_274, %parallel_loop3A_278 : vector<16xf32>
        %parallel_loop3A_280 = vector.broadcast %parallel_loop3A_100 : f32 to vector<16xf32>
        %parallel_loop3A_281 = arith.mulf %parallel_loop3A_280, %parallel_loop3A_279 : vector<16xf32>
        %parallel_loop3A_282 = arith.mulf %parallel_loop3A_281, %parallel_loop3A_281 : vector<16xf32>
        %parallel_loop3A_283 = arith.addf %parallel_loop3A_257, %parallel_loop3A_282 : vector<16xf32>
        %parallel_loop3A_284 = arith.index_cast %parallel_loop3A_89 : i32 to index
        %parallel_loop3A_285 = arith.constant 224 : index
        %parallel_loop3A_286 = tpu.vector_load %arg6[%parallel_loop3A_284, %parallel_loop3A_285] {strides = array<i32>} : memref<64x256xf32, #tpu.memory_space<vmem>>, vector<1x16xf32>,
        %parallel_loop3A_287 = vector.shape_cast %parallel_loop3A_286 : vector<1x16xf32> to vector<16xf32>
        %parallel_loop3A_288 = arith.index_cast %parallel_loop3A_89 : i32 to index
        %parallel_loop3A_289 = arith.constant 224 : index
        %parallel_loop3A_290 = tpu.vector_load %arg8[%parallel_loop3A_288, %parallel_loop3A_289] {strides = array<i32>} : memref<64x256xf32, #tpu.memory_space<vmem>>, vector<1x16xf32>,
        %parallel_loop3A_291 = vector.shape_cast %parallel_loop3A_290 : vector<1x16xf32> to vector<16xf32>
        %parallel_loop3A_292 = arith.subf %parallel_loop3A_287, %parallel_loop3A_291 : vector<16xf32>
        %parallel_loop3A_293 = vector.broadcast %parallel_loop3A_100 : f32 to vector<16xf32>
        %parallel_loop3A_294 = arith.mulf %parallel_loop3A_293, %parallel_loop3A_292 : vector<16xf32>
        %parallel_loop3A_295 = arith.mulf %parallel_loop3A_294, %parallel_loop3A_294 : vector<16xf32>
        %parallel_loop3A_296 = arith.addf %parallel_loop3A_270, %parallel_loop3A_295 : vector<16xf32>
        %parallel_loop3A_297 = arith.index_cast %parallel_loop3A_89 : i32 to index
        %parallel_loop3A_298 = arith.constant 240 : index
        %parallel_loop3A_299 = tpu.vector_load %arg6[%parallel_loop3A_297, %parallel_loop3A_298] {strides = array<i32>} : memref<64x256xf32, #tpu.memory_space<vmem>>, vector<1x16xf32>,
        %parallel_loop3A_300 = vector.shape_cast %parallel_loop3A_299 : vector<1x16xf32> to vector<16xf32>
        %parallel_loop3A_301 = arith.index_cast %parallel_loop3A_89 : i32 to index
        %parallel_loop3A_302 = arith.constant 240 : index
        %parallel_loop3A_303 = tpu.vector_load %arg8[%parallel_loop3A_301, %parallel_loop3A_302] {strides = array<i32>} : memref<64x256xf32, #tpu.memory_space<vmem>>, vector<1x16xf32>,
        %parallel_loop3A_304 = vector.shape_cast %parallel_loop3A_303 : vector<1x16xf32> to vector<16xf32>
        %parallel_loop3A_305 = arith.subf %parallel_loop3A_300, %parallel_loop3A_304 : vector<16xf32>
        %parallel_loop3A_306 = vector.broadcast %parallel_loop3A_100 : f32 to vector<16xf32>
        %parallel_loop3A_307 = arith.mulf %parallel_loop3A_306, %parallel_loop3A_305 : vector<16xf32>
        %parallel_loop3A_308 = arith.mulf %parallel_loop3A_307, %parallel_loop3A_307 : vector<16xf32>
        %parallel_loop3A_309 = arith.addf %parallel_loop3A_283, %parallel_loop3A_308 : vector<16xf32>
        scf.yield %parallel_loop3A_296, %parallel_loop3A_309, %parallel_loop3A_101 : vector<16xf32>, vector<16xf32>, f32
      } {sc.loop_unroll_factor = 1 : i64, sc.parallel_access}
      %mul3A_65 = arith.constant 2 : i32
      %mul3A_66 = arith.muli %mul3A_65, %scan3A_42 : i32
      %add3A_67 = arith.constant 1 : i32
      %add3A_68 = arith.addi %mul3A_66, %add3A_67 : i32
      %mul3A_69 = arith.constant 64 : i32
      %mul3A_70 = arith.muli %add3A_68, %mul3A_69 : i32
      %add3A_71 = arith.addi %add3A_4, %mul3A_70 : i32
      %dma_wait3A_72 = arith.constant 0 : i32
      %dma_wait3A_73 = tpu.memref_slice %arg2[%add3A_71, %dma_wait3A_72] : memref<32768x256xf32, #tpu.memory_space<hbm>> -> memref<64x256xf32, #tpu.memory_space<hbm>>
      %dma_wait3A_74 = arith.constant 0 : i32
      %dma_wait3A_75 = tpu.memref_slice %arg2[%add3A_71, %dma_wait3A_74] : memref<32768x256xf32, #tpu.memory_space<hbm>> -> memref<64x256xf32, #tpu.memory_space<hbm>>
      tpu.wait_dma2 semaphore(%arg13 : memref<!tpu.dma_semaphore, #tpu.memory_space<semaphore_mem>>) src(%dma_wait3A_75 : memref<64x256xf32, #tpu.memory_space<hbm>>) dst(%arg7 : memref<64x256xf32, #tpu.memory_space<vmem>>)
      %dma_wait3A_76 = arith.constant 0 : i32
      %dma_wait3A_77 = tpu.memref_slice %arg3[%add3A_71, %dma_wait3A_76] : memref<32768x256xf32, #tpu.memory_space<hbm>> -> memref<64x256xf32, #tpu.memory_space<hbm>>
      %dma_wait3A_78 = arith.constant 0 : i32
      %dma_wait3A_79 = tpu.memref_slice %arg3[%add3A_71, %dma_wait3A_78] : memref<32768x256xf32, #tpu.memory_space<hbm>> -> memref<64x256xf32, #tpu.memory_space<hbm>>
      tpu.wait_dma2 semaphore(%arg13 : memref<!tpu.dma_semaphore, #tpu.memory_space<semaphore_mem>>) src(%dma_wait3A_79 : memref<64x256xf32, #tpu.memory_space<hbm>>) dst(%arg9 : memref<64x256xf32, #tpu.memory_space<vmem>>)
      %lt3A_80 = arith.constant 6 : i32
      %lt3A_81 = arith.cmpi slt, %add3A_68, %lt3A_80 : i32
      %convert_element_type3A_82 = arith.extui %lt3A_81 : i1 to i32
      %cond3A_83 = arith.constant 0 : i32
      %cond3A_84 = arith.cmpi ne, %convert_element_type3A_82, %cond3A_83 : i32
      scf.if %cond3A_84 {
        %add3A_89 = arith.constant 2 : i32
        %add3A_90 = arith.addi %add3A_68, %add3A_89 : i32
        %mul3A_91 = arith.constant 64 : i32
        %mul3A_92 = arith.muli %add3A_90, %mul3A_91 : i32
        %add3A_93 = arith.addi %add3A_4, %mul3A_92 : i32
        %dma_start3A_94 = arith.constant 0 : i32
        %dma_start3A_95 = tpu.memref_slice %arg2[%add3A_93, %dma_start3A_94] : memref<32768x256xf32, #tpu.memory_space<hbm>> -> memref<64x256xf32, #tpu.memory_space<hbm>>
        %dma_start3A_96 = arith.constant 0 : i32
        %dma_start3A_97 = tpu.memref_slice %arg2[%add3A_93, %dma_start3A_96] : memref<32768x256xf32, #tpu.memory_space<hbm>> -> memref<64x256xf32, #tpu.memory_space<hbm>>
        tpu.enqueue_dma source(%dma_start3A_97 : memref<64x256xf32, #tpu.memory_space<hbm>>) target(%arg7 : memref<64x256xf32, #tpu.memory_space<vmem>>) target_semaphore(%arg13 : memref<!tpu.dma_semaphore, #tpu.memory_space<semaphore_mem>>)
        %dma_start3A_98 = arith.constant 0 : i32
        %dma_start3A_99 = tpu.memref_slice %arg3[%add3A_93, %dma_start3A_98] : memref<32768x256xf32, #tpu.memory_space<hbm>> -> memref<64x256xf32, #tpu.memory_space<hbm>>
        %dma_start3A_100 = arith.constant 0 : i32
        %dma_start3A_101 = tpu.memref_slice %arg3[%add3A_93, %dma_start3A_100] : memref<32768x256xf32, #tpu.memory_space<hbm>> -> memref<64x256xf32, #tpu.memory_space<hbm>>
        tpu.enqueue_dma source(%dma_start3A_101 : memref<64x256xf32, #tpu.memory_space<hbm>>) target(%arg9 : memref<64x256xf32, #tpu.memory_space<vmem>>) target_semaphore(%arg13 : memref<!tpu.dma_semaphore, #tpu.memory_space<semaphore_mem>>)
      } else {
      }
      %parallel_loop3A_85 = arith.constant 0 : i32
      %parallel_loop3A_86 = arith.constant 64 : i32
      %parallel_loop3A_87 = arith.constant 1 : i32
      %parallel_loop3A_88:3 = scf.for %parallel_loop3A_89 = %parallel_loop3A_85 to %parallel_loop3A_86 step %parallel_loop3A_87 iter_args(%parallel_loop3A_90 = %parallel_loop3A_64#0, %parallel_loop3A_91 = %parallel_loop3A_64#1, %parallel_loop3A_92 = %parallel_loop3A_64#2) -> (vector<16xf32>, vector<16xf32>, f32)  : i32 {
        %parallel_loop3A_93 = arith.constant 64 : i32
        %parallel_loop3A_94 = arith.muli %add3A_68, %parallel_loop3A_93 : i32
        %parallel_loop3A_95 = arith.addi %parallel_loop3A_94, %parallel_loop3A_89 : i32
        %parallel_loop3A_96 = arith.index_cast %parallel_loop3A_95 : i32 to index
        %parallel_loop3A_97 = tpu.vector_load %arg10[%parallel_loop3A_96] {strides = array<i32>} : memref<528xf32, #tpu.memory_space<vmem>>, vector<16xf32>,
        %parallel_loop3A_98 = vector.shape_cast %parallel_loop3A_97 : vector<16xf32> to vector<16xf32>
        %parallel_loop3A_99 = vector.extract_strided_slice %parallel_loop3A_98 {offsets = [0], sizes = [1], strides = [1]} : vector<16xf32> to vector<1xf32>
        %parallel_loop3A_100 = vector.extract %parallel_loop3A_99[0] : f32 from vector<1xf32>
        %parallel_loop3A_101 = arith.addf %parallel_loop3A_92, %parallel_loop3A_100 : f32
        %parallel_loop3A_102 = arith.index_cast %parallel_loop3A_89 : i32 to index
        %parallel_loop3A_103 = arith.constant 0 : index
        %parallel_loop3A_104 = tpu.vector_load %arg7[%parallel_loop3A_102, %parallel_loop3A_103] {strides = array<i32>} : memref<64x256xf32, #tpu.memory_space<vmem>>, vector<1x16xf32>,
        %parallel_loop3A_105 = vector.shape_cast %parallel_loop3A_104 : vector<1x16xf32> to vector<16xf32>
        %parallel_loop3A_106 = arith.index_cast %parallel_loop3A_89 : i32 to index
        %parallel_loop3A_107 = arith.constant 0 : index
        %parallel_loop3A_108 = tpu.vector_load %arg9[%parallel_loop3A_106, %parallel_loop3A_107] {strides = array<i32>} : memref<64x256xf32, #tpu.memory_space<vmem>>, vector<1x16xf32>,
        %parallel_loop3A_109 = vector.shape_cast %parallel_loop3A_108 : vector<1x16xf32> to vector<16xf32>
        %parallel_loop3A_110 = arith.subf %parallel_loop3A_105, %parallel_loop3A_109 : vector<16xf32>
        %parallel_loop3A_111 = vector.broadcast %parallel_loop3A_100 : f32 to vector<16xf32>
        %parallel_loop3A_112 = arith.mulf %parallel_loop3A_111, %parallel_loop3A_110 : vector<16xf32>
        %parallel_loop3A_113 = arith.mulf %parallel_loop3A_112, %parallel_loop3A_112 : vector<16xf32>
        %parallel_loop3A_114 = arith.addf %parallel_loop3A_90, %parallel_loop3A_113 : vector<16xf32>
        %parallel_loop3A_115 = arith.index_cast %parallel_loop3A_89 : i32 to index
        %parallel_loop3A_116 = arith.constant 16 : index
        %parallel_loop3A_117 = tpu.vector_load %arg7[%parallel_loop3A_115, %parallel_loop3A_116] {strides = array<i32>} : memref<64x256xf32, #tpu.memory_space<vmem>>, vector<1x16xf32>,
        %parallel_loop3A_118 = vector.shape_cast %parallel_loop3A_117 : vector<1x16xf32> to vector<16xf32>
        %parallel_loop3A_119 = arith.index_cast %parallel_loop3A_89 : i32 to index
        %parallel_loop3A_120 = arith.constant 16 : index
        %parallel_loop3A_121 = tpu.vector_load %arg9[%parallel_loop3A_119, %parallel_loop3A_120] {strides = array<i32>} : memref<64x256xf32, #tpu.memory_space<vmem>>, vector<1x16xf32>,
        %parallel_loop3A_122 = vector.shape_cast %parallel_loop3A_121 : vector<1x16xf32> to vector<16xf32>
        %parallel_loop3A_123 = arith.subf %parallel_loop3A_118, %parallel_loop3A_122 : vector<16xf32>
        %parallel_loop3A_124 = vector.broadcast %parallel_loop3A_100 : f32 to vector<16xf32>
        %parallel_loop3A_125 = arith.mulf %parallel_loop3A_124, %parallel_loop3A_123 : vector<16xf32>
        %parallel_loop3A_126 = arith.mulf %parallel_loop3A_125, %parallel_loop3A_125 : vector<16xf32>
        %parallel_loop3A_127 = arith.addf %parallel_loop3A_91, %parallel_loop3A_126 : vector<16xf32>
        %parallel_loop3A_128 = arith.index_cast %parallel_loop3A_89 : i32 to index
        %parallel_loop3A_129 = arith.constant 32 : index
        %parallel_loop3A_130 = tpu.vector_load %arg7[%parallel_loop3A_128, %parallel_loop3A_129] {strides = array<i32>} : memref<64x256xf32, #tpu.memory_space<vmem>>, vector<1x16xf32>,
        %parallel_loop3A_131 = vector.shape_cast %parallel_loop3A_130 : vector<1x16xf32> to vector<16xf32>
        %parallel_loop3A_132 = arith.index_cast %parallel_loop3A_89 : i32 to index
        %parallel_loop3A_133 = arith.constant 32 : index
        %parallel_loop3A_134 = tpu.vector_load %arg9[%parallel_loop3A_132, %parallel_loop3A_133] {strides = array<i32>} : memref<64x256xf32, #tpu.memory_space<vmem>>, vector<1x16xf32>,
        %parallel_loop3A_135 = vector.shape_cast %parallel_loop3A_134 : vector<1x16xf32> to vector<16xf32>
        %parallel_loop3A_136 = arith.subf %parallel_loop3A_131, %parallel_loop3A_135 : vector<16xf32>
        %parallel_loop3A_137 = vector.broadcast %parallel_loop3A_100 : f32 to vector<16xf32>
        %parallel_loop3A_138 = arith.mulf %parallel_loop3A_137, %parallel_loop3A_136 : vector<16xf32>
        %parallel_loop3A_139 = arith.mulf %parallel_loop3A_138, %parallel_loop3A_138 : vector<16xf32>
        %parallel_loop3A_140 = arith.addf %parallel_loop3A_114, %parallel_loop3A_139 : vector<16xf32>
        %parallel_loop3A_141 = arith.index_cast %parallel_loop3A_89 : i32 to index
        %parallel_loop3A_142 = arith.constant 48 : index
        %parallel_loop3A_143 = tpu.vector_load %arg7[%parallel_loop3A_141, %parallel_loop3A_142] {strides = array<i32>} : memref<64x256xf32, #tpu.memory_space<vmem>>, vector<1x16xf32>,
        %parallel_loop3A_144 = vector.shape_cast %parallel_loop3A_143 : vector<1x16xf32> to vector<16xf32>
        %parallel_loop3A_145 = arith.index_cast %parallel_loop3A_89 : i32 to index
        %parallel_loop3A_146 = arith.constant 48 : index
        %parallel_loop3A_147 = tpu.vector_load %arg9[%parallel_loop3A_145, %parallel_loop3A_146] {strides = array<i32>} : memref<64x256xf32, #tpu.memory_space<vmem>>, vector<1x16xf32>,
        %parallel_loop3A_148 = vector.shape_cast %parallel_loop3A_147 : vector<1x16xf32> to vector<16xf32>
        %parallel_loop3A_149 = arith.subf %parallel_loop3A_144, %parallel_loop3A_148 : vector<16xf32>
        %parallel_loop3A_150 = vector.broadcast %parallel_loop3A_100 : f32 to vector<16xf32>
        %parallel_loop3A_151 = arith.mulf %parallel_loop3A_150, %parallel_loop3A_149 : vector<16xf32>
        %parallel_loop3A_152 = arith.mulf %parallel_loop3A_151, %parallel_loop3A_151 : vector<16xf32>
        %parallel_loop3A_153 = arith.addf %parallel_loop3A_127, %parallel_loop3A_152 : vector<16xf32>
        %parallel_loop3A_154 = arith.index_cast %parallel_loop3A_89 : i32 to index
        %parallel_loop3A_155 = arith.constant 64 : index
        %parallel_loop3A_156 = tpu.vector_load %arg7[%parallel_loop3A_154, %parallel_loop3A_155] {strides = array<i32>} : memref<64x256xf32, #tpu.memory_space<vmem>>, vector<1x16xf32>,
        %parallel_loop3A_157 = vector.shape_cast %parallel_loop3A_156 : vector<1x16xf32> to vector<16xf32>
        %parallel_loop3A_158 = arith.index_cast %parallel_loop3A_89 : i32 to index
        %parallel_loop3A_159 = arith.constant 64 : index
        %parallel_loop3A_160 = tpu.vector_load %arg9[%parallel_loop3A_158, %parallel_loop3A_159] {strides = array<i32>} : memref<64x256xf32, #tpu.memory_space<vmem>>, vector<1x16xf32>,
        %parallel_loop3A_161 = vector.shape_cast %parallel_loop3A_160 : vector<1x16xf32> to vector<16xf32>
        %parallel_loop3A_162 = arith.subf %parallel_loop3A_157, %parallel_loop3A_161 : vector<16xf32>
        %parallel_loop3A_163 = vector.broadcast %parallel_loop3A_100 : f32 to vector<16xf32>
        %parallel_loop3A_164 = arith.mulf %parallel_loop3A_163, %parallel_loop3A_162 : vector<16xf32>
        %parallel_loop3A_165 = arith.mulf %parallel_loop3A_164, %parallel_loop3A_164 : vector<16xf32>
        %parallel_loop3A_166 = arith.addf %parallel_loop3A_140, %parallel_loop3A_165 : vector<16xf32>
        %parallel_loop3A_167 = arith.index_cast %parallel_loop3A_89 : i32 to index
        %parallel_loop3A_168 = arith.constant 80 : index
        %parallel_loop3A_169 = tpu.vector_load %arg7[%parallel_loop3A_167, %parallel_loop3A_168] {strides = array<i32>} : memref<64x256xf32, #tpu.memory_space<vmem>>, vector<1x16xf32>,
        %parallel_loop3A_170 = vector.shape_cast %parallel_loop3A_169 : vector<1x16xf32> to vector<16xf32>
        %parallel_loop3A_171 = arith.index_cast %parallel_loop3A_89 : i32 to index
        %parallel_loop3A_172 = arith.constant 80 : index
        %parallel_loop3A_173 = tpu.vector_load %arg9[%parallel_loop3A_171, %parallel_loop3A_172] {strides = array<i32>} : memref<64x256xf32, #tpu.memory_space<vmem>>, vector<1x16xf32>,
        %parallel_loop3A_174 = vector.shape_cast %parallel_loop3A_173 : vector<1x16xf32> to vector<16xf32>
        %parallel_loop3A_175 = arith.subf %parallel_loop3A_170, %parallel_loop3A_174 : vector<16xf32>
        %parallel_loop3A_176 = vector.broadcast %parallel_loop3A_100 : f32 to vector<16xf32>
        %parallel_loop3A_177 = arith.mulf %parallel_loop3A_176, %parallel_loop3A_175 : vector<16xf32>
        %parallel_loop3A_178 = arith.mulf %parallel_loop3A_177, %parallel_loop3A_177 : vector<16xf32>
        %parallel_loop3A_179 = arith.addf %parallel_loop3A_153, %parallel_loop3A_178 : vector<16xf32>
        %parallel_loop3A_180 = arith.index_cast %parallel_loop3A_89 : i32 to index
        %parallel_loop3A_181 = arith.constant 96 : index
        %parallel_loop3A_182 = tpu.vector_load %arg7[%parallel_loop3A_180, %parallel_loop3A_181] {strides = array<i32>} : memref<64x256xf32, #tpu.memory_space<vmem>>, vector<1x16xf32>,
        %parallel_loop3A_183 = vector.shape_cast %parallel_loop3A_182 : vector<1x16xf32> to vector<16xf32>
        %parallel_loop3A_184 = arith.index_cast %parallel_loop3A_89 : i32 to index
        %parallel_loop3A_185 = arith.constant 96 : index
        %parallel_loop3A_186 = tpu.vector_load %arg9[%parallel_loop3A_184, %parallel_loop3A_185] {strides = array<i32>} : memref<64x256xf32, #tpu.memory_space<vmem>>, vector<1x16xf32>,
        %parallel_loop3A_187 = vector.shape_cast %parallel_loop3A_186 : vector<1x16xf32> to vector<16xf32>
        %parallel_loop3A_188 = arith.subf %parallel_loop3A_183, %parallel_loop3A_187 : vector<16xf32>
        %parallel_loop3A_189 = vector.broadcast %parallel_loop3A_100 : f32 to vector<16xf32>
        %parallel_loop3A_190 = arith.mulf %parallel_loop3A_189, %parallel_loop3A_188 : vector<16xf32>
        %parallel_loop3A_191 = arith.mulf %parallel_loop3A_190, %parallel_loop3A_190 : vector<16xf32>
        %parallel_loop3A_192 = arith.addf %parallel_loop3A_166, %parallel_loop3A_191 : vector<16xf32>
        %parallel_loop3A_193 = arith.index_cast %parallel_loop3A_89 : i32 to index
        %parallel_loop3A_194 = arith.constant 112 : index
        %parallel_loop3A_195 = tpu.vector_load %arg7[%parallel_loop3A_193, %parallel_loop3A_194] {strides = array<i32>} : memref<64x256xf32, #tpu.memory_space<vmem>>, vector<1x16xf32>,
        %parallel_loop3A_196 = vector.shape_cast %parallel_loop3A_195 : vector<1x16xf32> to vector<16xf32>
        %parallel_loop3A_197 = arith.index_cast %parallel_loop3A_89 : i32 to index
        %parallel_loop3A_198 = arith.constant 112 : index
        %parallel_loop3A_199 = tpu.vector_load %arg9[%parallel_loop3A_197, %parallel_loop3A_198] {strides = array<i32>} : memref<64x256xf32, #tpu.memory_space<vmem>>, vector<1x16xf32>,
        %parallel_loop3A_200 = vector.shape_cast %parallel_loop3A_199 : vector<1x16xf32> to vector<16xf32>
        %parallel_loop3A_201 = arith.subf %parallel_loop3A_196, %parallel_loop3A_200 : vector<16xf32>
        %parallel_loop3A_202 = vector.broadcast %parallel_loop3A_100 : f32 to vector<16xf32>
        %parallel_loop3A_203 = arith.mulf %parallel_loop3A_202, %parallel_loop3A_201 : vector<16xf32>
        %parallel_loop3A_204 = arith.mulf %parallel_loop3A_203, %parallel_loop3A_203 : vector<16xf32>
        %parallel_loop3A_205 = arith.addf %parallel_loop3A_179, %parallel_loop3A_204 : vector<16xf32>
        %parallel_loop3A_206 = arith.index_cast %parallel_loop3A_89 : i32 to index
        %parallel_loop3A_207 = arith.constant 128 : index
        %parallel_loop3A_208 = tpu.vector_load %arg7[%parallel_loop3A_206, %parallel_loop3A_207] {strides = array<i32>} : memref<64x256xf32, #tpu.memory_space<vmem>>, vector<1x16xf32>,
        %parallel_loop3A_209 = vector.shape_cast %parallel_loop3A_208 : vector<1x16xf32> to vector<16xf32>
        %parallel_loop3A_210 = arith.index_cast %parallel_loop3A_89 : i32 to index
        %parallel_loop3A_211 = arith.constant 128 : index
        %parallel_loop3A_212 = tpu.vector_load %arg9[%parallel_loop3A_210, %parallel_loop3A_211] {strides = array<i32>} : memref<64x256xf32, #tpu.memory_space<vmem>>, vector<1x16xf32>,
        %parallel_loop3A_213 = vector.shape_cast %parallel_loop3A_212 : vector<1x16xf32> to vector<16xf32>
        %parallel_loop3A_214 = arith.subf %parallel_loop3A_209, %parallel_loop3A_213 : vector<16xf32>
        %parallel_loop3A_215 = vector.broadcast %parallel_loop3A_100 : f32 to vector<16xf32>
        %parallel_loop3A_216 = arith.mulf %parallel_loop3A_215, %parallel_loop3A_214 : vector<16xf32>
        %parallel_loop3A_217 = arith.mulf %parallel_loop3A_216, %parallel_loop3A_216 : vector<16xf32>
        %parallel_loop3A_218 = arith.addf %parallel_loop3A_192, %parallel_loop3A_217 : vector<16xf32>
        %parallel_loop3A_219 = arith.index_cast %parallel_loop3A_89 : i32 to index
        %parallel_loop3A_220 = arith.constant 144 : index
        %parallel_loop3A_221 = tpu.vector_load %arg7[%parallel_loop3A_219, %parallel_loop3A_220] {strides = array<i32>} : memref<64x256xf32, #tpu.memory_space<vmem>>, vector<1x16xf32>,
        %parallel_loop3A_222 = vector.shape_cast %parallel_loop3A_221 : vector<1x16xf32> to vector<16xf32>
        %parallel_loop3A_223 = arith.index_cast %parallel_loop3A_89 : i32 to index
        %parallel_loop3A_224 = arith.constant 144 : index
        %parallel_loop3A_225 = tpu.vector_load %arg9[%parallel_loop3A_223, %parallel_loop3A_224] {strides = array<i32>} : memref<64x256xf32, #tpu.memory_space<vmem>>, vector<1x16xf32>,
        %parallel_loop3A_226 = vector.shape_cast %parallel_loop3A_225 : vector<1x16xf32> to vector<16xf32>
        %parallel_loop3A_227 = arith.subf %parallel_loop3A_222, %parallel_loop3A_226 : vector<16xf32>
        %parallel_loop3A_228 = vector.broadcast %parallel_loop3A_100 : f32 to vector<16xf32>
        %parallel_loop3A_229 = arith.mulf %parallel_loop3A_228, %parallel_loop3A_227 : vector<16xf32>
        %parallel_loop3A_230 = arith.mulf %parallel_loop3A_229, %parallel_loop3A_229 : vector<16xf32>
        %parallel_loop3A_231 = arith.addf %parallel_loop3A_205, %parallel_loop3A_230 : vector<16xf32>
        %parallel_loop3A_232 = arith.index_cast %parallel_loop3A_89 : i32 to index
        %parallel_loop3A_233 = arith.constant 160 : index
        %parallel_loop3A_234 = tpu.vector_load %arg7[%parallel_loop3A_232, %parallel_loop3A_233] {strides = array<i32>} : memref<64x256xf32, #tpu.memory_space<vmem>>, vector<1x16xf32>,
        %parallel_loop3A_235 = vector.shape_cast %parallel_loop3A_234 : vector<1x16xf32> to vector<16xf32>
        %parallel_loop3A_236 = arith.index_cast %parallel_loop3A_89 : i32 to index
        %parallel_loop3A_237 = arith.constant 160 : index
        %parallel_loop3A_238 = tpu.vector_load %arg9[%parallel_loop3A_236, %parallel_loop3A_237] {strides = array<i32>} : memref<64x256xf32, #tpu.memory_space<vmem>>, vector<1x16xf32>,
        %parallel_loop3A_239 = vector.shape_cast %parallel_loop3A_238 : vector<1x16xf32> to vector<16xf32>
        %parallel_loop3A_240 = arith.subf %parallel_loop3A_235, %parallel_loop3A_239 : vector<16xf32>
        %parallel_loop3A_241 = vector.broadcast %parallel_loop3A_100 : f32 to vector<16xf32>
        %parallel_loop3A_242 = arith.mulf %parallel_loop3A_241, %parallel_loop3A_240 : vector<16xf32>
        %parallel_loop3A_243 = arith.mulf %parallel_loop3A_242, %parallel_loop3A_242 : vector<16xf32>
        %parallel_loop3A_244 = arith.addf %parallel_loop3A_218, %parallel_loop3A_243 : vector<16xf32>
        %parallel_loop3A_245 = arith.index_cast %parallel_loop3A_89 : i32 to index
        %parallel_loop3A_246 = arith.constant 176 : index
        %parallel_loop3A_247 = tpu.vector_load %arg7[%parallel_loop3A_245, %parallel_loop3A_246] {strides = array<i32>} : memref<64x256xf32, #tpu.memory_space<vmem>>, vector<1x16xf32>,
        %parallel_loop3A_248 = vector.shape_cast %parallel_loop3A_247 : vector<1x16xf32> to vector<16xf32>
        %parallel_loop3A_249 = arith.index_cast %parallel_loop3A_89 : i32 to index
        %parallel_loop3A_250 = arith.constant 176 : index
        %parallel_loop3A_251 = tpu.vector_load %arg9[%parallel_loop3A_249, %parallel_loop3A_250] {strides = array<i32>} : memref<64x256xf32, #tpu.memory_space<vmem>>, vector<1x16xf32>,
        %parallel_loop3A_252 = vector.shape_cast %parallel_loop3A_251 : vector<1x16xf32> to vector<16xf32>
        %parallel_loop3A_253 = arith.subf %parallel_loop3A_248, %parallel_loop3A_252 : vector<16xf32>
        %parallel_loop3A_254 = vector.broadcast %parallel_loop3A_100 : f32 to vector<16xf32>
        %parallel_loop3A_255 = arith.mulf %parallel_loop3A_254, %parallel_loop3A_253 : vector<16xf32>
        %parallel_loop3A_256 = arith.mulf %parallel_loop3A_255, %parallel_loop3A_255 : vector<16xf32>
        %parallel_loop3A_257 = arith.addf %parallel_loop3A_231, %parallel_loop3A_256 : vector<16xf32>
        %parallel_loop3A_258 = arith.index_cast %parallel_loop3A_89 : i32 to index
        %parallel_loop3A_259 = arith.constant 192 : index
        %parallel_loop3A_260 = tpu.vector_load %arg7[%parallel_loop3A_258, %parallel_loop3A_259] {strides = array<i32>} : memref<64x256xf32, #tpu.memory_space<vmem>>, vector<1x16xf32>,
        %parallel_loop3A_261 = vector.shape_cast %parallel_loop3A_260 : vector<1x16xf32> to vector<16xf32>
        %parallel_loop3A_262 = arith.index_cast %parallel_loop3A_89 : i32 to index
        %parallel_loop3A_263 = arith.constant 192 : index
        %parallel_loop3A_264 = tpu.vector_load %arg9[%parallel_loop3A_262, %parallel_loop3A_263] {strides = array<i32>} : memref<64x256xf32, #tpu.memory_space<vmem>>, vector<1x16xf32>,
        %parallel_loop3A_265 = vector.shape_cast %parallel_loop3A_264 : vector<1x16xf32> to vector<16xf32>
        %parallel_loop3A_266 = arith.subf %parallel_loop3A_261, %parallel_loop3A_265 : vector<16xf32>
        %parallel_loop3A_267 = vector.broadcast %parallel_loop3A_100 : f32 to vector<16xf32>
        %parallel_loop3A_268 = arith.mulf %parallel_loop3A_267, %parallel_loop3A_266 : vector<16xf32>
        %parallel_loop3A_269 = arith.mulf %parallel_loop3A_268, %parallel_loop3A_268 : vector<16xf32>
        %parallel_loop3A_270 = arith.addf %parallel_loop3A_244, %parallel_loop3A_269 : vector<16xf32>
        %parallel_loop3A_271 = arith.index_cast %parallel_loop3A_89 : i32 to index
        %parallel_loop3A_272 = arith.constant 208 : index
        %parallel_loop3A_273 = tpu.vector_load %arg7[%parallel_loop3A_271, %parallel_loop3A_272] {strides = array<i32>} : memref<64x256xf32, #tpu.memory_space<vmem>>, vector<1x16xf32>,
        %parallel_loop3A_274 = vector.shape_cast %parallel_loop3A_273 : vector<1x16xf32> to vector<16xf32>
        %parallel_loop3A_275 = arith.index_cast %parallel_loop3A_89 : i32 to index
        %parallel_loop3A_276 = arith.constant 208 : index
        %parallel_loop3A_277 = tpu.vector_load %arg9[%parallel_loop3A_275, %parallel_loop3A_276] {strides = array<i32>} : memref<64x256xf32, #tpu.memory_space<vmem>>, vector<1x16xf32>,
        %parallel_loop3A_278 = vector.shape_cast %parallel_loop3A_277 : vector<1x16xf32> to vector<16xf32>
        %parallel_loop3A_279 = arith.subf %parallel_loop3A_274, %parallel_loop3A_278 : vector<16xf32>
        %parallel_loop3A_280 = vector.broadcast %parallel_loop3A_100 : f32 to vector<16xf32>
        %parallel_loop3A_281 = arith.mulf %parallel_loop3A_280, %parallel_loop3A_279 : vector<16xf32>
        %parallel_loop3A_282 = arith.mulf %parallel_loop3A_281, %parallel_loop3A_281 : vector<16xf32>
        %parallel_loop3A_283 = arith.addf %parallel_loop3A_257, %parallel_loop3A_282 : vector<16xf32>
        %parallel_loop3A_284 = arith.index_cast %parallel_loop3A_89 : i32 to index
        %parallel_loop3A_285 = arith.constant 224 : index
        %parallel_loop3A_286 = tpu.vector_load %arg7[%parallel_loop3A_284, %parallel_loop3A_285] {strides = array<i32>} : memref<64x256xf32, #tpu.memory_space<vmem>>, vector<1x16xf32>,
        %parallel_loop3A_287 = vector.shape_cast %parallel_loop3A_286 : vector<1x16xf32> to vector<16xf32>
        %parallel_loop3A_288 = arith.index_cast %parallel_loop3A_89 : i32 to index
        %parallel_loop3A_289 = arith.constant 224 : index
        %parallel_loop3A_290 = tpu.vector_load %arg9[%parallel_loop3A_288, %parallel_loop3A_289] {strides = array<i32>} : memref<64x256xf32, #tpu.memory_space<vmem>>, vector<1x16xf32>,
        %parallel_loop3A_291 = vector.shape_cast %parallel_loop3A_290 : vector<1x16xf32> to vector<16xf32>
        %parallel_loop3A_292 = arith.subf %parallel_loop3A_287, %parallel_loop3A_291 : vector<16xf32>
        %parallel_loop3A_293 = vector.broadcast %parallel_loop3A_100 : f32 to vector<16xf32>
        %parallel_loop3A_294 = arith.mulf %parallel_loop3A_293, %parallel_loop3A_292 : vector<16xf32>
        %parallel_loop3A_295 = arith.mulf %parallel_loop3A_294, %parallel_loop3A_294 : vector<16xf32>
        %parallel_loop3A_296 = arith.addf %parallel_loop3A_270, %parallel_loop3A_295 : vector<16xf32>
        %parallel_loop3A_297 = arith.index_cast %parallel_loop3A_89 : i32 to index
        %parallel_loop3A_298 = arith.constant 240 : index
        %parallel_loop3A_299 = tpu.vector_load %arg7[%parallel_loop3A_297, %parallel_loop3A_298] {strides = array<i32>} : memref<64x256xf32, #tpu.memory_space<vmem>>, vector<1x16xf32>,
        %parallel_loop3A_300 = vector.shape_cast %parallel_loop3A_299 : vector<1x16xf32> to vector<16xf32>
        %parallel_loop3A_301 = arith.index_cast %parallel_loop3A_89 : i32 to index
        %parallel_loop3A_302 = arith.constant 240 : index
        %parallel_loop3A_303 = tpu.vector_load %arg9[%parallel_loop3A_301, %parallel_loop3A_302] {strides = array<i32>} : memref<64x256xf32, #tpu.memory_space<vmem>>, vector<1x16xf32>,
        %parallel_loop3A_304 = vector.shape_cast %parallel_loop3A_303 : vector<1x16xf32> to vector<16xf32>
        %parallel_loop3A_305 = arith.subf %parallel_loop3A_300, %parallel_loop3A_304 : vector<16xf32>
        %parallel_loop3A_306 = vector.broadcast %parallel_loop3A_100 : f32 to vector<16xf32>
        %parallel_loop3A_307 = arith.mulf %parallel_loop3A_306, %parallel_loop3A_305 : vector<16xf32>
        %parallel_loop3A_308 = arith.mulf %parallel_loop3A_307, %parallel_loop3A_307 : vector<16xf32>
        %parallel_loop3A_309 = arith.addf %parallel_loop3A_283, %parallel_loop3A_308 : vector<16xf32>
        scf.yield %parallel_loop3A_296, %parallel_loop3A_309, %parallel_loop3A_101 : vector<16xf32>, vector<16xf32>, f32
      } {sc.loop_unroll_factor = 1 : i64, sc.parallel_access}
      scf.yield %parallel_loop3A_88#0, %parallel_loop3A_88#1, %parallel_loop3A_88#2 : vector<16xf32>, vector<16xf32>, f32
    }
    %scan3A_32 = arith.constant 4 : i32
    %add3A_33 = arith.addf %scan3A_31#0, %scan3A_31#1 : vector<16xf32>
    %swap3A = arith.constant 0 : index
    %swap3A_34 = tpu.vector_load %arg11[%swap3A] {strides = array<i32>} : memref<32xf32, #tpu.memory_space<vmem>>, vector<16xf32>,
    %swap3A_35 = vector.shape_cast %swap3A_34 : vector<16xf32> to vector<16xf32>
    %swap3A_36 = vector.shape_cast %add3A_33 : vector<16xf32> to vector<16xf32>
    tpu.vector_store %arg11[%swap3A], %swap3A_36 {strides = array<i32>} : memref<32xf32, #tpu.memory_space<vmem>>, vector<16xf32>,
    %broadcast_in_dim3A_37 = vector.broadcast %scan3A_31#2 : f32 to vector<16xf32>
    %swap3A_38 = arith.constant 16 : index
    %swap3A_39 = tpu.vector_load %arg11[%swap3A_38] {strides = array<i32>} : memref<32xf32, #tpu.memory_space<vmem>>, vector<16xf32>,
    %swap3A_40 = vector.shape_cast %swap3A_39 : vector<16xf32> to vector<16xf32>
    %swap3A_41 = vector.shape_cast %broadcast_in_dim3A_37 : vector<16xf32> to vector<16xf32>
    tpu.vector_store %arg11[%swap3A_38], %swap3A_41 {strides = array<i32>} : memref<32xf32, #tpu.memory_space<vmem>>, vector<16xf32>,
    "tpu.region"() ({
      %run_scoped3A = tpu.sem_alloc : memref<!tpu.dma_semaphore, #tpu.memory_space<semaphore_mem>>
      %dma_start3A_42 = arith.constant 0 : i32
      %dma_start3A_43 = tpu.memref_slice %arg5[%add3A, %dma_start3A_42] : memref<32x32xf32, #tpu.memory_space<hbm>> -> memref<1x32xf32, #tpu.memory_space<hbm>>
      %dma_start3A_44 = tpu.memref_squeeze %dma_start3A_43 : memref<1x32xf32, #tpu.memory_space<hbm>> -> memref<32xf32, #tpu.memory_space<hbm>>
      %dma_start3A_45 = arith.constant 0 : i32
      %dma_start3A_46 = tpu.memref_slice %arg5[%add3A, %dma_start3A_45] : memref<32x32xf32, #tpu.memory_space<hbm>> -> memref<1x32xf32, #tpu.memory_space<hbm>>
      %dma_start3A_47 = tpu.memref_squeeze %dma_start3A_46 : memref<1x32xf32, #tpu.memory_space<hbm>> -> memref<32xf32, #tpu.memory_space<hbm>>
      tpu.enqueue_dma source(%arg11 : memref<32xf32, #tpu.memory_space<vmem>>) target(%dma_start3A_47 : memref<32xf32, #tpu.memory_space<hbm>>) target_semaphore(%run_scoped3A : memref<!tpu.dma_semaphore, #tpu.memory_space<semaphore_mem>>)
      %dma_wait3A = arith.constant 0 : i32
      %dma_wait3A_48 = tpu.memref_slice %arg5[%add3A, %dma_wait3A] : memref<32x32xf32, #tpu.memory_space<hbm>> -> memref<1x32xf32, #tpu.memory_space<hbm>>
      %dma_wait3A_49 = tpu.memref_squeeze %dma_wait3A_48 : memref<1x32xf32, #tpu.memory_space<hbm>> -> memref<32xf32, #tpu.memory_space<hbm>>
      %dma_wait3A_50 = arith.constant 0 : i32
      %dma_wait3A_51 = tpu.memref_slice %arg5[%add3A, %dma_wait3A_50] : memref<32x32xf32, #tpu.memory_space<hbm>> -> memref<1x32xf32, #tpu.memory_space<hbm>>
      %dma_wait3A_52 = tpu.memref_squeeze %dma_wait3A_51 : memref<1x32xf32, #tpu.memory_space<hbm>> -> memref<32xf32, #tpu.memory_space<hbm>>
      tpu.wait_dma2 semaphore(%run_scoped3A : memref<!tpu.dma_semaphore, #tpu.memory_space<semaphore_mem>>) src(%arg11 : memref<32xf32, #tpu.memory_space<vmem>>) dst(%dma_wait3A_52 : memref<32xf32, #tpu.memory_space<hbm>>)
      tpu.yield
    }) : () -> ()
    return
  }
}

module attributes {stable_mosaic.version = 14 : i64} {
  func.func @_tc_body(%arg0: i32, %arg1: memref<256x8x256xf32, #tpu.memory_space<vmem>>, %arg2: memref<256x8x256xf32, #tpu.memory_space<vmem>>, %arg3: memref<256x8xf32, #tpu.memory_space<vmem>>, %arg4: memref<2xf32, #tpu.memory_space<smem>>, %arg5: memref<1xf32, #tpu.memory_space<smem>>, %arg6: memref<1xf32, #tpu.memory_space<smem>>) attributes {dimension_semantics = [#tpu.dimension_semantics<arbitrary>], iteration_bounds = array<i64: 8>, scalar_prefetch = 0 : i64, scratch_operands = 2 : i64, tpu.core_type = #tpu.core_type<tc>, window_params = [{transform_indices = @transform_0, window_bounds = array<i64: 256, 8, 256>}, {transform_indices = @transform_1, window_bounds = array<i64: 256, 8, 256>}, {transform_indices = @transform_2, window_bounds = array<i64: 256, 8>}, {transform_indices = @transform_3, window_bounds = array<i64: 2>}]} {
    %eq3A = arith.constant 0 : i32
    %eq3A_0 = arith.cmpi eq, %arg0, %eq3A : i32
    %convert_element_type3A = arith.extui %eq3A_0 : i1 to i32
    %cond3A = arith.constant 0 : i32
    %cond3A_1 = arith.cmpi ne, %convert_element_type3A, %cond3A : i32
    scf.if %cond3A_1 {
      %swap3A_36 = arith.constant 0.000000e+00 : f32
      %swap3A_37 = arith.constant 0 : index
      %swap3A_38 = memref.load %arg5[%swap3A_37] : memref<1xf32, #tpu.memory_space<smem>>
      memref.store %swap3A_36, %arg5[%swap3A_37] : memref<1xf32, #tpu.memory_space<smem>>
      %swap3A_39 = arith.constant 0.000000e+00 : f32
      %swap3A_40 = arith.constant 0 : index
      %swap3A_41 = memref.load %arg6[%swap3A_40] : memref<1xf32, #tpu.memory_space<smem>>
      memref.store %swap3A_39, %arg6[%swap3A_40] : memref<1xf32, #tpu.memory_space<smem>>
    } else {
    }
    %get3A = arith.constant 0 : index
    %get3A_2 = arith.constant 0 : index
    %get3A_3 = arith.constant 0 : index
    %get3A_4 = vector.load %arg1[%get3A, %get3A_2, %get3A_3] : memref<256x8x256xf32, #tpu.memory_space<vmem>>, vector<256x8x256xf32>
    %get3A_5 = arith.constant 0 : index
    %get3A_6 = arith.constant 0 : index
    %get3A_7 = arith.constant 0 : index
    %get3A_8 = vector.load %arg2[%get3A_5, %get3A_6, %get3A_7] : memref<256x8x256xf32, #tpu.memory_space<vmem>>, vector<256x8x256xf32>
    %sub3A = arith.subf %get3A_4, %get3A_8 : vector<256x8x256xf32>
    %get3A_9 = arith.constant 0 : index
    %get3A_10 = arith.constant 0 : index
    %get3A_11 = vector.load %arg3[%get3A_9, %get3A_10] : memref<256x8xf32, #tpu.memory_space<vmem>>, vector<256x8xf32>
    %broadcast_in_dim3A = vector.shape_cast %get3A_11 : vector<256x8xf32> to vector<256x8x1xf32>
    %mul3A = vector.broadcast %broadcast_in_dim3A : vector<256x8x1xf32> to vector<256x8x256xf32>
    %mul3A_12 = arith.mulf %mul3A, %sub3A : vector<256x8x256xf32>
    %get3A_13 = arith.constant 0 : index
    %get3A_14 = memref.load %arg5[%get3A_13] : memref<1xf32, #tpu.memory_space<smem>>
    %mul3A_15 = arith.mulf %mul3A_12, %sub3A : vector<256x8x256xf32>
    %reduce_sum3A = vector.shape_cast %mul3A_15 : vector<256x8x256xf32> to vector<1x256x8x256xf32>
    %reduce_sum3A_16 = arith.constant dense<0.000000e+00> : vector<1xf32>
    %reduce_sum3A_17 = vector.multi_reduction <add>, %reduce_sum3A, %reduce_sum3A_16 [1, 2, 3] : vector<1x256x8x256xf32> to vector<1xf32>
    %reduce_sum3A_18 = vector.shape_cast %reduce_sum3A_17 : vector<1xf32> to vector<1x1x1x1xf32>
    %reduce_sum3A_19 = vector.extract %reduce_sum3A_18[0, 0, 0, 0] : f32 from vector<1x1x1x1xf32>
    %add3A = arith.addf %get3A_14, %reduce_sum3A_19 : f32
    %swap3A = arith.constant 0 : index
    %swap3A_20 = memref.load %arg5[%swap3A] : memref<1xf32, #tpu.memory_space<smem>>
    memref.store %add3A, %arg5[%swap3A] : memref<1xf32, #tpu.memory_space<smem>>
    %get3A_21 = arith.constant 0 : index
    %get3A_22 = memref.load %arg6[%get3A_21] : memref<1xf32, #tpu.memory_space<smem>>
    %reduce_sum3A_23 = vector.shape_cast %get3A_11 : vector<256x8xf32> to vector<1x256x8xf32>
    %reduce_sum3A_24 = arith.constant dense<0.000000e+00> : vector<1xf32>
    %reduce_sum3A_25 = vector.multi_reduction <add>, %reduce_sum3A_23, %reduce_sum3A_24 [1, 2] : vector<1x256x8xf32> to vector<1xf32>
    %reduce_sum3A_26 = vector.shape_cast %reduce_sum3A_25 : vector<1xf32> to vector<1x1x1xf32>
    %reduce_sum3A_27 = vector.extract %reduce_sum3A_26[0, 0, 0] : f32 from vector<1x1x1xf32>
    %add3A_28 = arith.addf %get3A_22, %reduce_sum3A_27 : f32
    %swap3A_29 = arith.constant 0 : index
    %swap3A_30 = memref.load %arg6[%swap3A_29] : memref<1xf32, #tpu.memory_space<smem>>
    memref.store %add3A_28, %arg6[%swap3A_29] : memref<1xf32, #tpu.memory_space<smem>>
    %eq3A_31 = arith.constant 7 : i32
    %eq3A_32 = arith.cmpi eq, %arg0, %eq3A_31 : i32
    %convert_element_type3A_33 = arith.extui %eq3A_32 : i1 to i32
    %cond3A_34 = arith.constant 0 : i32
    %cond3A_35 = arith.cmpi ne, %convert_element_type3A_33, %cond3A_34 : i32
    scf.if %cond3A_35 {
      %get3A_36 = arith.constant 0 : index
      %get3A_37 = memref.load %arg5[%get3A_36] : memref<1xf32, #tpu.memory_space<smem>>
      %swap3A_38 = arith.constant 0 : index
      %swap3A_39 = memref.load %arg4[%swap3A_38] : memref<2xf32, #tpu.memory_space<smem>>
      memref.store %get3A_37, %arg4[%swap3A_38] : memref<2xf32, #tpu.memory_space<smem>>
      %get3A_40 = arith.constant 0 : index
      %get3A_41 = memref.load %arg6[%get3A_40] : memref<1xf32, #tpu.memory_space<smem>>
      %swap3A_42 = arith.constant 1 : index
      %swap3A_43 = memref.load %arg4[%swap3A_42] : memref<2xf32, #tpu.memory_space<smem>>
      memref.store %get3A_41, %arg4[%swap3A_42] : memref<2xf32, #tpu.memory_space<smem>>
    } else {
    }
    return
  }
  func.func @transform_0(%arg0: i32) -> (i32, i32, i32) {
    %c0_i32 = arith.constant 0 : i32
    %c0_i32_0 = arith.constant 0 : i32
    %c0_i32_1 = arith.constant 0 : i32
    return %arg0, %c0_i32, %c0_i32_0 : i32, i32, i32
  }
  func.func @transform_1(%arg0: i32) -> (i32, i32, i32) {
    %c0_i32 = arith.constant 0 : i32
    %c0_i32_0 = arith.constant 0 : i32
    %c0_i32_1 = arith.constant 0 : i32
    return %arg0, %c0_i32, %c0_i32_0 : i32, i32, i32
  }
  func.func @transform_2(%arg0: i32) -> (i32, i32) {
    %c0_i32 = arith.constant 0 : i32
    %c0_i32_0 = arith.constant 0 : i32
    return %arg0, %c0_i32 : i32, i32
  }
  func.func @transform_3(%arg0: i32) -> i32 {
    %c0_i32 = arith.constant 0 : i32
    %c0_i32_0 = arith.constant 0 : i32
    return %c0_i32 : i32
  }
}

</mosaic_0001>

<sc_bundles>
// kernel: kernel.4.cloned.1.call-start
scs
__scs_entry_jumppad:
0x0: {  	(pc) =	sbr.rel $0x88, $3  }
0x1: {  	(tag) =	ssettag $0x0;
	lr =	simm.s32 $0x1  }
0x2: {  	[smem:$0x3F9E] =	sst lr;
	_ =	strace $0xD0000000  }
0x3: {  	_ = 	snop  }
0x4: {  	_ = 	snop  }
0x5: {  	_ = 	snop  }
0x6: {  	_ = 	snop  }
0x7: {  	_ = 	snop  }
__scs_overlays_trampoline_lowered:
0x8: {  	[smem:$0x3FAD] =	sst s0  }
0x9: {  	[smem:$0x3FAE] =	sst s1  }
0xa: {  	[smem:$0x3FAF] =	sst s2  }
0xb: {  	[smem:$0x3FB0] =	sst s3  }
0xc: {  	[smem:$0x3FB1] =	sst s4  }
0xd: {  	[smem:$0x3FB2] =	sst s5  }
0xe: {  	[smem:$0x3FB3] =	sst s6  }
0xf: {  	[smem:$0x3FB4] =	sst s7  }
0x10: {  	[smem:$0x3FB5] =	sst s8  }
0x11: {  	[smem:$0x3FB6] =	sst s9;
	s0 =	simm.s32 @!p0 $0x0  }
0x12: {  	s1 =	sld [smem:$0x3F9C];
	s0 =	simm.s32 @p0 $0x1  }
0x13: {  	[smem:$0x3FB7] =	sst s0;
	s0 =	simm.s32 @!p1 $0x0  }
0x14: {  	s2 =	sld [smem:$0x3F9B];
	s0 =	simm.s32 @p1 $0x1  }
0x15: {  	[smem:$0x3FB8] =	sst s0;
	s0 =	simm.s32 @!p2 $0x0  }
0x16: {  	s3 =	sld [smem:$0x3FDB];
	s0 =	simm.s32 @p2 $0x1  }
0x17: {  	s4 =	simm.s32 $0x1BF5;
	[smem:$0x3FBA] =	sst s0  }
0x18: {  	s0 =	sld [smem:$0x3F9D];
	_ =	swait.ge [sflag:s4], $0x0  }
0x19: {  	s7 =	sld [smem:$0x3F9E]  }
0x1a: {  	s8 =	sadd.s32 $0xFFFFE003, lr  }
0x1b: {  	s9 =	sadd.s32 $0xFFFFFEF7, lr;
	s5 =	simm.s32 $0xFFFFFFFF;
	p2 =	slt.u32 s8, $0xFFFFF086  }
0x1c: {  	p1 =	slt.u32 s9, $0xF7A;
	s5 =	simm.s32 @!p2 $0x0  }
0x1d: {  	s5 =	simm.s32 @p1 $0x1;
	p0 =	seq.s32 s7, s2  }
0x1e: {  	s7 =	smul.u32 @!p0 $0xF7A, s2;
	p2 =	seq.s32 @!p0 s5, $0x0  }
0x1f: {  	s9 =	smul.u32 $0xF7A, s1;
	s8 =	simm.s32 @!p0 $0x1BF5;
	p2 =	por !p2, p0  }
0x20: {  	[sflag:s8] =	ssyncset.s32 @!p0 $0xFFFFF086;
	s6 =	sadd.s32 @!p0 s3, s7;
	s7 =	simm.s32 @!p0 $0x108  }
0x21: {  	s3 =	sadd.s32 s3, s9;
	s6 =	sadd.s32 @!p0 $0x88, s6;
	s7 =	simm.s32 @p2 $0x1082  }
0x22: {  	[simem:s7], [sflag:s8] =	dma.local @!p0 [hbm:s6], $0xF7A  }
0x23: {  	s9 =	sor.u32 $0xD0000000, s2;
	s6 =	simm.s32 $0x108;
	_ =	swait.ge @!p0 [sflag:s8], $0x0  }
0x24: {  	s3 =	sadd.s32 $0x88, s3;
	s6 =	simm.s32 @!p1 $0x1082;
	[sflag:s4] =	ssyncset.s32 $0xFFFFF086  }
0x25: {  	[simem:s6], [sflag:s4] =	dma.local [hbm:s3], $0xF7A  }
0x26: {  	[smem:$0x3F9E] =	sst s1;
	(tag) =	ssettag s2;
	_ =	strace s9  }
0x27: {  	s1 =	sld [smem:$0x3FAE]  }
0x28: {  	s2 =	sld [smem:$0x3FAF]  }
0x29: {  	s4 =	sld [smem:$0x3FB1]  }
0x2a: {  	p0 =	seq.s32 s5, $0x0;
	s5 =	sld [smem:$0x3FB2]  }
0x2b: {  	s6 =	sld [smem:$0x3FB3]  }
0x2c: {  	s7 =	sld [smem:$0x3FB4]  }
0x2d: {  	s3 =	simm.s32 $0x108;
	s8 =	sld [smem:$0x3FB5]  }
0x2e: {  	s3 =	simm.s32 @!p0 $0x1082;
	s9 =	sld [smem:$0x3FB6]  }
0x2f: {  	lr =	sadd.s32 s0, s3;
	s0 =	sld [smem:$0x3FAD]  }
0x30: {  	s3 =	sld [smem:$0x3FB0]  }
0x31: {  	[smem:$0x3FB9] =	sst s10  }
0x32: {  	s10 =	sld [smem:$0x3FB7];
	_ =	sdelay $0x3  }
0x33: {  	p0 =	seq.s32 s10, $0x1;
	s10 =	sld [smem:$0x3FB9];
	_ =	sdelay $0x3  }
0x34: {  	[smem:$0x3FB9] =	sst s10  }
0x35: {  	s10 =	sld [smem:$0x3FB8];
	_ =	sdelay $0x3  }
0x36: {  	p1 =	seq.s32 s10, $0x1;
	s10 =	sld [smem:$0x3FB9];
	_ =	sdelay $0x3  }
0x37: {  	[smem:$0x3FB9] =	sst s10  }
0x38: {  	s10 =	sld [smem:$0x3FBA]  }
0x39: {  	_ = 	snop;
	(pc) =	sbr.ind lr, $3  }
0x3a: {  	_ = 	snop  }
0x3b: {  	_ = 	snop  }
0x3c: {  	p2 =	seq.s32 s10, $0x1;
	s10 =	sld [smem:$0x3FB9]  }
0x3d: {  	_ =	shalt  }
0x3e: {  	_ =	shalt  }
0x3f: {  	_ =	shalt  }
0x40: {  	_ =	shalt  }
0x41: {  	_ =	shalt  }
0x42: {  	_ =	shalt  }
0x43: {  	_ =	shalt  }
0x44: {  	_ =	shalt  }
0x45: {  	_ =	shalt  }
0x46: {  	_ =	shalt  }
0x47: {  	_ =	shalt  }
0x48: {  	_ =	shalt  }
0x49: {  	_ =	shalt  }
0x4a: {  	_ =	shalt  }
0x4b: {  	_ =	shalt  }
0x4c: {  	_ =	shalt  }
0x4d: {  	_ =	shalt  }
0x4e: {  	_ =	shalt  }
0x4f: {  	_ =	shalt  }
0x50: {  	_ =	shalt  }
0x51: {  	_ =	shalt  }
0x52: {  	_ =	shalt  }
0x53: {  	_ =	shalt  }
0x54: {  	_ =	shalt  }
0x55: {  	_ =	shalt  }
0x56: {  	_ =	shalt  }
0x57: {  	_ =	shalt  }
0x58: {  	_ =	shalt  }
0x59: {  	_ =	shalt  }
0x5a: {  	_ =	shalt  }
0x5b: {  	_ =	shalt  }
0x5c: {  	_ =	shalt  }
0x5d: {  	_ =	shalt  }
0x5e: {  	_ =	shalt  }
0x5f: {  	_ =	shalt  }
0x60: {  	_ =	shalt  }
0x61: {  	_ =	shalt  }
0x62: {  	_ =	shalt  }
0x63: {  	_ =	shalt  }
0x64: {  	_ =	shalt  }
0x65: {  	_ =	shalt  }
0x66: {  	_ =	shalt  }
0x67: {  	_ =	shalt  }
0x68: {  	_ =	shalt  }
0x69: {  	_ =	shalt  }
0x6a: {  	_ =	shalt  }
0x6b: {  	_ =	shalt  }
0x6c: {  	_ =	shalt  }
0x6d: {  	_ =	shalt  }
0x6e: {  	_ =	shalt  }
0x6f: {  	_ =	shalt  }
0x70: {  	_ =	shalt  }
0x71: {  	_ =	shalt  }
0x72: {  	_ =	shalt  }
0x73: {  	_ =	shalt  }
0x74: {  	_ =	shalt  }
0x75: {  	_ =	shalt  }
0x76: {  	_ =	shalt  }
0x77: {  	_ =	shalt  }
0x78: {  	_ =	shalt  }
0x79: {  	_ =	shalt  }
0x7a: {  	_ =	shalt  }
0x7b: {  	_ =	shalt  }
0x7c: {  	_ =	shalt  }
0x7d: {  	_ =	shalt  }
0x7e: {  	_ =	shalt  }
0x7f: {  	_ =	shalt  }
0x80: {  	_ =	shalt  }
0x81: {  	_ =	shalt  }
0x82: {  	_ =	shalt  }
0x83: {  	_ =	shalt  }
0x84: {  	_ =	shalt  }
0x85: {  	_ =	shalt  }
0x86: {  	_ =	shalt  }
0x87: {  	_ =	shalt  }
.Lfunc_end0:
.L_simem_size_0:
called_computation_lowered:
.L_overlay_start_0:
0x88: {  	s2 =	sld [smem:$0x3FD9]  }
0x89: {  	s3 =	sld [smem:$0x3FFE];
	_ =	sdelay $0x1  }
0x8a: {  	s1 =	srdreg.scid  }
0x8b: {  	s0 =	sand.u32 $0x1, s1  }
0x8c: {  	s17 =	sshll.u32 s0, $0xA;
	s2 =	sadd.s32 s3, s2  }
0x8d: {  	s2 =	sadd.s32 s2, s17  }
0x8e: {  	[smem:$0x3FC5] =	sst s2  }
0x8f: {  	_ = 	snop  }
0x90: {  	s2 =	sld [smem:$0x3FC9]  }
0x91: {  	s18 =	sld [smem:$0x3FC8];
	(tm) =	ssettm $0x1  }
0x92: {  	s4 =	sld [smem:$0x3FFB];
	_ =	sdelay $0x3  }
0x93: {  	_ =	strace s4  }
0x94: {  	s4 =	sld [smem:$0x3FFC];
	_ =	sdelay $0x3  }
0x95: {  	_ =	strace s4  }
0x96: {  	s4 =	sld [smem:$0x3FFD];
	_ =	sdelay $0x3  }
0x97: {  	_ =	strace s4  }
0x98: {  	_ =	strace $0x8FFFFFFF  }
0x99: {  	s19 =	sld [smem:$0x3FDB];
	_ =	sdelay $0x1  }
0x9a: {  	s5 =	simm.s32 $_scs_section_size  }
0x9b: {  	s6 =	simm.s32 $_size__tile_overlayer_lowered;
	s7 =	simm.s32 $_tile_overlayer_lowered  }
0x9c: {  	s22 =	simm.s32 $0x1BFF;
	s21 =	sshll.u32 s7, $0x1;
	s4 =	sadd.s32 s5, s19  }
0x9d: {  	s8 =	simm.s32 $0x0;
	s20 =	sshll.u32 s6, $0x1;
	s6 =	sadd.s32 s21, s4  }
0x9e: {  	[timem:s8], [sflag:s22] =	dma.local [hbm:s6], s20  }
0x9f: {  	_ =	swait.ge [sflag:s22], s20  }
0xa0: {  	s5 =	ssub.s32 $0x0, s20;
	[sflag:s22] =	ssyncset.done $0x0  }
0xa1: {  	[sflag:s22] =	ssyncadd.s32 s5;
	_ =	sdelay $0x1  }
0xa2: {  	s23 =	simm.s32 $0x1B8B  }
0xa3: {  	_ =	swait.ge [sflag:s23], $0x1  }
0xa4: {  	[sflag:s23] =	ssyncset.done $0x0  }
0xa5: {  	s25 =	simm.s32 $0x1B8E;
	s24 =	sld [smem:$0x3FFE];
	[sflag:s23] =	ssyncadd.s32 $0xFFFFFFFF  }
0xa6: {  	s26 =	simm.s32 $execute0_lowered;
	[smem:$0x3FD2] =	sst s25  }
0xa7: {  	s6 =	sshll.u32 s26, $0x1;
	_ =	strace $0x80000046;
	[dreg:$0x1] =	wrdreg $0xFFFFFFFF  }
0xa8: {  	s28 =	simm.s32 $_size_execute0_lowered;
	s4 =	sadd.s32 s4, s6;
	[dreg:$0x0] =	wrdreg $0x0  }
0xa9: {  	s6 =	sshll.u32 s28, $0x1;
	[dreg:$0x2] =	wrdreg s4  }
0xaa: {  	[dreg:$0x3] =	wrdreg s6  }
0xab: {  	[dreg:$0x4] =	wrdreg $0xC0  }
0xac: {  	_ =	task [dreg:s8], $0x5FFFF  }
0xad: {  	[dreg:$0x1] =	wrdreg $0xFFFFFFFF  }
0xae: {  	[dreg:$0x0] =	wrdreg $0x60  }
0xaf: {  	[dreg:$0x2] =	wrdreg s2  }
0xb0: {  	[dreg:$0x3] =	wrdreg s18  }
0xb1: {  	[dreg:$0x4] =	wrdreg s24  }
0xb2: {  	[dreg:$0x5] =	wrdreg $0x9  }
0xb3: {  	_ =	task.clear_ibuf [dreg:s8], $0x6FFFF;
	_ =	strace $0x90000046  }
0xb4: {  	s29 =	simm.s32 $0x9;
	_ =	strace $0x80000048  }
0xb5: {  	_ =	swait.ge [sflag:s29], $0x1  }
0xb6: {  	[sflag:s29] =	ssyncadd.s32 $0xFFFFFFFF  }
0xb7: {  	_ =	strace $0x90000048  }
0xb8: {  	_ =	sfence  }
0xb9: {  	s30 =	sld [smem:$0x0];
	_ =	sdelay $0x2  }
0xba: {  	s31 =	sshll.u32 s1, $0xD;
	s1 =	sshrl.u32 s1, $0x2  }
0xbb: {  	s3 =	sand.u32 $0x4000, s31;
	s1 =	sadd.s32 s1, s30  }
0xbc: {  	s0 =	sor.u32 s3, s0;
	s1 =	sshll.u32 s1, $0x11  }
0xbd: {  	s0 =	sor.u32 s1, s0  }
0xbe: {  	s0 =	sadd.s32 $0x8F2B, s0  }
0xbf: {  	[sflag:s0] =	ssyncadd.remote.s32 $0x1  }
0xc0: {  	_ =	sfence.sel $0xFFFF  }
0xc1: {  	[dreg:$0x0] =	wrdreg $0xFFFFFFFF;
	(pc) =	sbr.abs _section_cstart, $3  }
0xc2: {  	[dreg:$0x1] =	wrdreg $0xFFFFFFFF  }
0xc3: {  	_ =	task.clear_ibuf [dreg:s8], $0x2FFFF;
	_ =	strace $0x9FFFFFFF  }
0xc4: {  	(tm) =	ssettm $0x7FFFFFFF  }
0xc5: {  	_ =	shalt  }
tec
execute0_lowered:
.L_overlay_start_1:
0x0: {  	(tag) =	ssettag $0x1  }
0x1: {  	s1 =	rddreg [dreg:$0x0]  }
0x2: {  	s2 =	rddreg [dreg:$0x1]  }
0x3: {  	s5 =	rddreg [dreg:$0x2]  }
0x4: {  	s4 =	simm.s32 $0x0;
	s6 =	srdreg.scid;
	s0 =	stileid.u32  }
0x5: {  	s14 =	simm.s32 $0x3;
	s15 =	simm.s32 $0x8000;
	s16 =	simm.s32 $0x4000  }
0x6: {  	s17 =	simm.s32 $0xC000;
	s18 =	simm.s32 $0x1;
	s19 =	simm.s32 $0x2  }
0x7: {  	s20 =	simm.s32 $0x10280;
	s6 =	sand.u32 $0x1, s6;
	s7 =	sshll.u32 s0, $0x1  }
0x8: {  	s21 =	simm.s32 $0x0;
	[smem:$0x7FF] =	sst s4;
	s7 =	sor.u32 s6, s7  }
0x9: {  	_ =	strace $0x80000047;
	s6 =	ssub.s32 $0x2, s6;
	s8 =	sshll.u32 s7, $0x4  }
0xa: {  	s9 =	sshrl.u32 s6, $0x1;
	s10 =	sshll.u32 s7, $0x9;
	s13 =	sshll.u32 s7, $0xE  }
0xb: {  	s11 =	sadd.s32 s8, s5;
	s12 =	ssub.s32 s6, s9;
	s28 =	sor.u32 $0x4000, s10  }
0xc: {  	s31 =	sor.u32 $0x80800, s13;
	s29 =	sshrl.u32 s28, $0x3;
	s30 =	sshll.u32 s28, $0x5  }
0xd: {  	s8 =	sadd.s32 s1, s31;
	s9 =	sadd.s32 s2, s31;
	s10 =	sadd.s32 $0x1000, s11  }
0xe: {  	s11 =	smax.u32 s12, $0x1;
	s12 =	sor.u32 $0x81000, s13;
	s13 =	sor.u32 $0x81800, s13  }
0xf: {  	s5 =	sadd.s32 s5, s29;
	s6 =	sadd.s32 s1, s30;
	s7 =	sadd.s32 s2, s30  }
.LBB2_1:
0x10: {  	s22 =	simm.s32 $0x10000  }
0x11: {  	[tilespmem:s22], [sflag:$0x3] =	stream.linear.gather [hbm4b:s5+s4], $0x200, $0x38;
	[tilespmem:$0x10300] =	vst v63  }
0x12: {  	_ =	swait.ge [sflag:s14], $0x200  }
0x13: {  	[sflag:s14] =	ssyncset.done $0x0  }
0x14: {  	[sflag:s14] =	ssyncadd.s32 $0xFFFFFE00  }
0x15: {  	[tilespmem:s4], [sflag:$0x1] =	stream.linear.gather [hbm4b:s6+s4], $0x4000, $0x38;
	[tilespmem:$0x10300] =	vst v63  }
0x16: {  	_ = 	snop  }
0x17: {  	[tilespmem:s15], [sflag:$0x1] =	stream.linear.gather [hbm4b:s7+s4], $0x4000, $0x38;
	[tilespmem:$0x10300] =	vst v63  }
0x18: {  	_ = 	snop  }
0x19: {  	[tilespmem:s16], [sflag:$0x2] =	stream.linear.gather [hbm4b:s8+s4], $0x4000, $0x38;
	[tilespmem:$0x10300] =	vst v63  }
0x1a: {  	s25 =	simm.f32 $0.0e+00;
	s23 =	simm.s32 $0x10040;
	s24 =	simm.s32 $0x0  }
0x1b: {  	v0 =	vimm.f32 $0.0e+00;
	v1 =	vimm.f32 $0.0e+00;
	[tilespmem:s17], [sflag:$0x2] =	stream.linear.gather [hbm4b:s9+s4], $0x4000, $0x38;
	[tilespmem:$0x10300] =	vst v63  }
.LBB2_2:
0x1c: {  	_ =	swait.ge [sflag:s18], $0x4000  }
0x1d: {  	[sflag:s18] =	ssyncset.done $0x0  }
0x1e: {  	p0 =	seq.s32 s24, $0x3;
	[sflag:s18] =	ssyncadd.s32 $0xFFFFC000  }
0x1f: {  	s26 =	sshll.u32 @!p0 s24, $0xC;
	_ =	swait.ge [sflag:s18], $0x4000  }
0x20: {  	s28 =	sadd.s32 @!p0 s12, s26;
	[sflag:s18] =	ssyncset.done $0x0  }
0x21: {  	s30 =	simm.s32 @!p0 $0x0;
	s29 =	sadd.s32 @!p0 s1, s28;
	[sflag:s18] =	ssyncadd.s32 $0xFFFFC000  }
0x22: {  	[tilespmem:s30], [sflag:$0x1] =	stream.linear.gather @!p0 [hbm4b:s29+s30], $0x4000, $0x38;
	[tilespmem:$0x10300] =	vst v63  }
0x23: {  	s28 =	sadd.s32 @!p0 s2, s28;
	s29 =	simm.s32 @!p0 $0x8000  }
0x24: {  	[tilespmem:s29], [sflag:$0x1] =	stream.linear.gather @!p0 [hbm4b:s28+s30], $0x4000, $0x38;
	[tilespmem:$0x10300] =	vst v63  }
0x25: {  	s29 =	simm.s32 $0x0  }
0x26: {  	s28 =	sand.u32 $0x3800, s29;
	s30 =	sand.u32 $0x380, s29  }
0x27: {  	v2 =	vld [tilespmem:s22+$0x0];
	s28 =	sor.u32 s30, s28  }
0x28: {  	v4 =	vld [tilespmem:s28+$0x460]  }
0x29: {  	v7 =	vld [tilespmem:s28+$0x8460]  }
0x2a: {  	v3 =	vld [tilespmem:s28+$0x440]  }
0x2b: {  	v5 =	vld [tilespmem:s28+$0x8440]  }
0x2c: {  	v9 =	vld [tilespmem:s28+$0x420]  }
0x2d: {  	v10 =	vld [tilespmem:s28+$0x8420];
	(v2sf) =	vpush v2, $0x0  }
0x2e: {  	v6 =	vld [tilespmem:s28+$0x400]  }
0x2f: {  	v8 =	vld [tilespmem:s28+$0x8400]  }
0x30: {  	v12 =	vld [tilespmem:s28+$0x60]  }
0x31: {  	v15 =	vld [tilespmem:s28+$0x8060]  }
0x32: {  	v11 =	vld [tilespmem:s28+$0x40]  }
0x33: {  	v14 =	vld [tilespmem:s28+$0x8040]  }
0x34: {  	v16 =	vld [tilespmem:s28+$0x20]  }
0x35: {  	v17 =	vld [tilespmem:s28+$0x8020]  }
0x36: {  	v13 =	vld [tilespmem:s28+$0x30]  }
0x37: {  	v18 =	vld [tilespmem:s28+$0x0]  }
0x38: {  	s31 =	smov.u32 s22;
	s30 =	simm.s32 $0x100;
	v19 =	vld [tilespmem:s28+$0x8000]  }
.LBB2_3:
0x39: {  	p1 =	sne.s32 s30, $0x3F00;
	v20 =	vld [tilespmem:s28+$0x10]  }
0x3a: {  	v4 =	vsub.f32 v4, v7;
	v21 =	vld [tilespmem:s28+$0x8010]  }
0x3b: {  	v9 =	vsub.f32 v9, v10;
	v3 =	vsub.f32 v3, v5;
	v7 =	vld [tilespmem:s28+$0x8030]  }
0x3c: {  	v22 =	vbroadcast v2, $0x0;
	v5 =	vsub.f32 v12, v15;
	v6 =	vsub.f32 v6, v8;
	v2 =	vld [tilespmem:s28+$0x50];
	s0 =	spop (v2sf)  }
0x3d: {  	v10 =	vsub.f32 v11, v14;
	v8 =	vsub.f32 v16, v17;
	s25 =	sadd.f32 s0, s25;
	v11 =	vld [tilespmem:s28+$0x8050]  }
0x3e: {  	v15 =	vmul.f32 v3, v22;
	v16 =	vmul.f32 v4, v22;
	v12 =	vsub.f32 v18, v19;
	v14 =	vld [tilespmem:s28+$0x70]  }
0x3f: {  	v6 =	vmul.f32 v6, v22;
	v9 =	vmul.f32 v9, v22;
	v3 =	vsub.f32 v20, v21;
	v4 =	vld [tilespmem:s28+$0x8070]  }
0x40: {  	v10 =	vmul.f32 v10, v22;
	v5 =	vmul.f32 v5, v22;
	v7 =	vsub.f32 v13, v7;
	v13 =	vld [tilespmem:s28+$0x410]  }
0x41: {  	v12 =	vmul.f32 v12, v22;
	v3 =	vmul.f32 v3, v22;
	v17 =	vld [tilespmem:s28+$0x8410]  }
0x42: {  	v8 =	vmul.f32 v8, v22;
	v7 =	vmul.f32 v7, v22;
	v2 =	vsub.f32 v2, v11;
	v11 =	vld [tilespmem:s28+$0x430]  }
0x43: {  	v12 =	vmul.f32 v12, v12;
	v3 =	vmul.f32 v3, v3;
	v18 =	vld [tilespmem:s28+$0x8430]  }
0x44: {  	v8 =	vmul.f32 v8, v8;
	v2 =	vmul.f32 v2, v22;
	v4 =	vsub.f32 v14, v4;
	v14 =	vld [tilespmem:s28+$0x450]  }
0x45: {  	v1 =	vadd.f32 v12, v1;
	v0 =	vadd.f32 v3, v0;
	v3 =	vmul.f32 v7, v7;
	v12 =	vld [tilespmem:s28+$0x8450]  }
0x46: {  	s29 =	sadd.s32 $0x80, s29;
	v7 =	vmul.f32 v10, v10;
	v10 =	vmul.f32 v4, v22;
	v4 =	vsub.f32 v13, v17;
	v13 =	vld [tilespmem:s28+$0x470]  }
0x47: {  	s31 =	sadd.s32 $0x1, s31;
	s3 =	sand.u32 $0x380, s29;
	s0 =	sand.u32 $0x3800, s30;
	v1 =	vadd.f32 v8, v1;
	v0 =	vadd.f32 v3, v0;
	v3 =	vmul.f32 v2, v2;
	v8 =	vld [tilespmem:s28+$0x8470]  }
0x48: {  	v5 =	vmul.f32 v5, v5;
	s28 =	sor.u32 s3, s0;
	v2 =	vld [tilespmem:s31+$0x0];
	v17 =	vmul.f32 v4, v22;
	v11 =	vsub.f32 v11, v18  }
0x49: {  	v1 =	vadd.f32 v7, v1;
	v10 =	vmul.f32 v10, v10;
	v4 =	vld [tilespmem:s28+$0x460];
	v0 =	vadd.f32 v3, v0  }
0x4a: {  	v6 =	vmul.f32 v6, v6;
	v7 =	vld [tilespmem:s28+$0x8460];
	v11 =	vmul.f32 v11, v22;
	v12 =	vsub.f32 v14, v12  }
0x4b: {  	v1 =	vadd.f32 v5, v1;
	v3 =	vld [tilespmem:s28+$0x440];
	v0 =	vadd.f32 v10, v0;
	v10 =	vmul.f32 v17, v17  }
0x4c: {  	v14 =	vmul.f32 v9, v9;
	v5 =	vld [tilespmem:s28+$0x8440];
	v12 =	vmul.f32 v12, v22;
	v8 =	vsub.f32 v13, v8  }
0x4d: {  	v1 =	vadd.f32 v6, v1;
	v11 =	vmul.f32 v11, v11;
	v9 =	vld [tilespmem:s28+$0x420];
	v0 =	vadd.f32 v10, v0  }
0x4e: {  	v13 =	vmul.f32 v15, v15;
	v10 =	vld [tilespmem:s28+$0x8420];
	(v2sf) =	vpush v2, $0x0;
	v15 =	vmul.f32 v8, v22  }
0x4f: {  	v1 =	vadd.f32 v14, v1;
	v6 =	vld [tilespmem:s28+$0x400];
	v0 =	vadd.f32 v11, v0;
	v11 =	vmul.f32 v12, v12  }
0x50: {  	v14 =	vmul.f32 v16, v16;
	v8 =	vld [tilespmem:s28+$0x8400]  }
0x51: {  	v1 =	vadd.f32 v13, v1;
	v13 =	vmul.f32 v15, v15;
	v12 =	vld [tilespmem:s28+$0x60];
	v0 =	vadd.f32 v11, v0  }
0x52: {  	v15 =	vld [tilespmem:s28+$0x8060]  }
0x53: {  	v1 =	vadd.f32 v14, v1;
	v11 =	vld [tilespmem:s28+$0x40];
	v0 =	vadd.f32 v13, v0  }
0x54: {  	v14 =	vld [tilespmem:s28+$0x8040]  }
.Ltmp0:
0x55: {  	v16 =	vld [tilespmem:s28+$0x20];
	(pc) =	sbr.rel @p1 .LBB2_3-.Ltmp0, $4  }
0x56: {  	v17 =	vld [tilespmem:s28+$0x8020]  }
0x57: {  	v13 =	vld [tilespmem:s28+$0x30]  }
0x58: {  	v18 =	vld [tilespmem:s28+$0x0]  }
0x59: {  	s30 =	sadd.s32 $0x100, s30;
	v19 =	vld [tilespmem:s28+$0x8000]  }
0x5a: {  	v20 =	vld [tilespmem:s28+$0x10]  }
0x5b: {  	v21 =	vld [tilespmem:s28+$0x8010]  }
0x5c: {  	v22 =	vld [tilespmem:s28+$0x8030]  }
0x5d: {  	v23 =	vld [tilespmem:s28+$0x50]  }
0x5e: {  	v24 =	vld [tilespmem:s28+$0x8050]  }
0x5f: {  	v25 =	vld [tilespmem:s28+$0x70]  }
0x60: {  	v26 =	vld [tilespmem:s28+$0x8070]  }
0x61: {  	v27 =	vld [tilespmem:s28+$0x410]  }
0x62: {  	v28 =	vld [tilespmem:s28+$0x8410]  }
0x63: {  	v29 =	vld [tilespmem:s28+$0x430]  }
0x64: {  	v30 =	vld [tilespmem:s28+$0x8430]  }
0x65: {  	v31 =	vld [tilespmem:s28+$0x450]  }
0x66: {  	v32 =	vld [tilespmem:s28+$0x8450]  }
0x67: {  	v33 =	vld [tilespmem:s28+$0x470];
	s29 =	spop (v2sf)  }
0x68: {  	v34 =	vld [tilespmem:s28+$0x8470];
	_ =	swait.ge [sflag:s19], $0x4000  }
0x69: {  	[sflag:s19] =	ssyncset.done $0x0  }
0x6a: {  	[sflag:s19] =	ssyncadd.s32 $0xFFFFC000  }
0x6b: {  	v4 =	vsub.f32 v4, v7;
	_ =	swait.ge [sflag:s19], $0x4000  }
0x6c: {  	s0 =	sadd.s32 @!p0 s13, s26;
	s26 =	simm.s32 @!p0 $0x0;
	v10 =	vsub.f32 v9, v10;
	v7 =	vsub.f32 v18, v19;
	v18 =	vbroadcast v2, $0x0;
	[sflag:s19] =	ssyncset.done $0x0  }
0x6d: {  	s28 =	simm.s32 @!p0 $0x4000;
	v5 =	vsub.f32 v3, v5;
	s3 =	sadd.s32 @!p0 s1, s0;
	v2 =	vsub.f32 v20, v21;
	[sflag:s19] =	ssyncadd.s32 $0xFFFFC000  }
0x6e: {  	v9 =	vsub.f32 v12, v15;
	v11 =	vsub.f32 v11, v14;
	v7 =	vmul.f32 v7, v18;
	[tilespmem:s28], [sflag:$0x2] =	stream.linear.gather @!p0 [hbm4b:s3+s26], $0x4000, $0x38;
	[tilespmem:$0x10300] =	vst v63  }
0x6f: {  	v8 =	vsub.f32 v6, v8;
	v3 =	vsub.f32 v16, v17;
	s0 =	sadd.s32 @!p0 s2, s0;
	v2 =	vmul.f32 v2, v18;
	s3 =	simm.s32 @!p0 $0xC000;
	s28 =	simm.s32 $0x0  }
0x70: {  	v12 =	vsub.f32 v13, v22;
	v14 =	vsub.f32 v25, v26;
	v7 =	vmul.f32 v7, v7;
	[tilespmem:s3], [sflag:$0x2] =	stream.linear.gather @!p0 [hbm4b:s0+s26], $0x4000, $0x38;
	[tilespmem:$0x10300] =	vst v63  }
0x71: {  	v15 =	vsub.f32 v27, v28;
	v3 =	vmul.f32 v3, v18;
	v2 =	vmul.f32 v2, v2;
	s31 =	sand.u32 $0x380, s28;
	s26 =	sand.u32 $0x3800, s28  }
0x72: {  	v11 =	vmul.f32 v11, v18;
	v6 =	vmul.f32 v12, v18;
	v7 =	vadd.f32 v7, v1;
	v1 =	vld [tilespmem:s23+$0x0];
	s26 =	sor.u32 s31, s26  }
0x73: {  	v12 =	vsub.f32 v23, v24;
	v3 =	vmul.f32 v3, v3;
	v13 =	vadd.f32 v2, v0;
	v0 =	vld [tilespmem:s26+$0x4460]  }
0x74: {  	v16 =	vsub.f32 v29, v30;
	v9 =	vmul.f32 v9, v18;
	v6 =	vmul.f32 v6, v6;
	v2 =	vld [tilespmem:s26+$0xC460]  }
0x75: {  	v11 =	vmul.f32 v11, v11;
	v12 =	vmul.f32 v12, v18;
	v7 =	vadd.f32 v3, v7;
	v3 =	vld [tilespmem:s26+$0x4440]  }
0x76: {  	v5 =	vmul.f32 v5, v18;
	v17 =	vmul.f32 v8, v18;
	v13 =	vadd.f32 v6, v13;
	v6 =	vld [tilespmem:s26+$0xC440]  }
0x77: {  	v14 =	vmul.f32 v14, v18;
	v12 =	vmul.f32 v12, v12;
	v11 =	vadd.f32 v11, v7;
	v7 =	vld [tilespmem:s26+$0x4420]  }
0x78: {  	v20 =	vmul.f32 v10, v18;
	v19 =	vmul.f32 v9, v9;
	v9 =	vld [tilespmem:s26+$0xC420];
	(v2sf) =	vpush v1, $0x0  }
0x79: {  	v14 =	vmul.f32 v14, v14;
	v8 =	vld [tilespmem:s26+$0x4400];
	v12 =	vadd.f32 v12, v13;
	v13 =	vmul.f32 v15, v18  }
0x7a: {  	v17 =	vmul.f32 v17, v17;
	v10 =	vld [tilespmem:s26+$0xC400];
	v15 =	vsub.f32 v31, v32;
	v19 =	vadd.f32 v19, v11  }
0x7b: {  	v16 =	vmul.f32 v16, v18;
	v11 =	vld [tilespmem:s26+$0x4060];
	v12 =	vadd.f32 v14, v12;
	v13 =	vmul.f32 v13, v13  }
0x7c: {  	v20 =	vmul.f32 v20, v20;
	v63 =	vmul.f32 v15, v18;
	v14 =	vld [tilespmem:s26+$0xC060];
	v15 =	vadd.f32 v17, v19  }
0x7d: {  	v16 =	vmul.f32 v16, v16;
	v17 =	vsub.f32 v33, v34;
	v13 =	vadd.f32 v13, v12;
	v12 =	vld [tilespmem:s26+$0x4040]  }
0x7e: {  	v4 =	vmul.f32 v4, v18;
	v5 =	vmul.f32 v5, v5;
	v19 =	vadd.f32 v20, v15;
	v15 =	vld [tilespmem:s26+$0xC040]  }
0x7f: {  	v18 =	vmul.f32 v17, v18;
	v20 =	vmul.f32 v63, v63;
	v17 =	vld [tilespmem:s26+$0xC020];
	v13 =	vadd.f32 v16, v13  }
0x80: {  	v4 =	vmul.f32 v4, v4;
	v16 =	vld [tilespmem:s26+$0x4020]  }
0x81: {  	v5 =	vadd.f32 v5, v19;
	v19 =	vadd.f32 v20, v13;
	v20 =	vmul.f32 v18, v18;
	v13 =	vld [tilespmem:s26+$0x4030]  }
0x82: {  	v18 =	vld [tilespmem:s26+$0x4000]  }
0x83: {  	s30 =	smov.u32 s23;
	s25 =	sadd.f32 s29, s25;
	s29 =	simm.s32 $0x100;
	v4 =	vadd.f32 v4, v5;
	v5 =	vadd.f32 v20, v19;
	v19 =	vld [tilespmem:s26+$0xC000]  }
.LBB2_5:
0x84: {  	p0 =	sne.s32 s29, $0x3F00;
	v20 =	vld [tilespmem:s26+$0x4010]  }
0x85: {  	v0 =	vsub.f32 v0, v2;
	v21 =	vld [tilespmem:s26+$0xC010]  }
0x86: {  	v7 =	vsub.f32 v7, v9;
	v3 =	vsub.f32 v3, v6;
	v2 =	vld [tilespmem:s26+$0xC030]  }
0x87: {  	v22 =	vbroadcast v1, $0x0;
	v6 =	vsub.f32 v11, v14;
	v8 =	vsub.f32 v8, v10;
	v1 =	vld [tilespmem:s26+$0x4050];
	s0 =	spop (v2sf)  }
0x88: {  	v10 =	vsub.f32 v12, v15;
	v9 =	vsub.f32 v16, v17;
	s25 =	sadd.f32 s0, s25;
	v11 =	vld [tilespmem:s26+$0xC050]  }
0x89: {  	v15 =	vmul.f32 v3, v22;
	v16 =	vmul.f32 v0, v22;
	v12 =	vsub.f32 v18, v19;
	v14 =	vld [tilespmem:s26+$0x4070]  }
0x8a: {  	v8 =	vmul.f32 v8, v22;
	v7 =	vmul.f32 v7, v22;
	v0 =	vsub.f32 v20, v21;
	v3 =	vld [tilespmem:s26+$0xC070]  }
0x8b: {  	v10 =	vmul.f32 v10, v22;
	v6 =	vmul.f32 v6, v22;
	v2 =	vsub.f32 v13, v2;
	v13 =	vld [tilespmem:s26+$0x4410]  }
0x8c: {  	v12 =	vmul.f32 v12, v22;
	v0 =	vmul.f32 v0, v22;
	v17 =	vld [tilespmem:s26+$0xC410]  }
0x8d: {  	v9 =	vmul.f32 v9, v22;
	v2 =	vmul.f32 v2, v22;
	v1 =	vsub.f32 v1, v11;
	v11 =	vld [tilespmem:s26+$0x4430]  }
0x8e: {  	v12 =	vmul.f32 v12, v12;
	v0 =	vmul.f32 v0, v0;
	v18 =	vld [tilespmem:s26+$0xC430]  }
0x8f: {  	v9 =	vmul.f32 v9, v9;
	v1 =	vmul.f32 v1, v22;
	v3 =	vsub.f32 v14, v3;
	v14 =	vld [tilespmem:s26+$0x4450]  }
0x90: {  	v4 =	vadd.f32 v12, v4;
	v2 =	vmul.f32 v2, v2;
	v0 =	vadd.f32 v0, v5;
	v5 =	vld [tilespmem:s26+$0xC450]  }
0x91: {  	s28 =	sadd.s32 $0x80, s28;
	v10 =	vmul.f32 v10, v10;
	v3 =	vmul.f32 v3, v22;
	v12 =	vsub.f32 v13, v17;
	v13 =	vld [tilespmem:s26+$0x4470]  }
0x92: {  	s30 =	sadd.s32 $0x1, s30;
	s3 =	sand.u32 $0x380, s28;
	s0 =	sand.u32 $0x3800, s29;
	v4 =	vadd.f32 v9, v4;
	v9 =	vmul.f32 v1, v1;
	v2 =	vadd.f32 v2, v0;
	v17 =	vld [tilespmem:s26+$0xC470]  }
0x93: {  	v6 =	vmul.f32 v6, v6;
	s26 =	sor.u32 s3, s0;
	v1 =	vld [tilespmem:s30+$0x0];
	v12 =	vmul.f32 v12, v22;
	v11 =	vsub.f32 v11, v18  }
0x94: {  	v4 =	vadd.f32 v10, v4;
	v10 =	vmul.f32 v3, v3;
	v0 =	vld [tilespmem:s26+$0x4460];
	v9 =	vadd.f32 v9, v2  }
0x95: {  	v8 =	vmul.f32 v8, v8;
	v2 =	vld [tilespmem:s26+$0xC460];
	v11 =	vmul.f32 v11, v22;
	v5 =	vsub.f32 v14, v5  }
0x96: {  	v4 =	vadd.f32 v6, v4;
	v3 =	vld [tilespmem:s26+$0x4440];
	v9 =	vadd.f32 v10, v9;
	v10 =	vmul.f32 v12, v12  }
0x97: {  	v12 =	vmul.f32 v7, v7;
	v6 =	vld [tilespmem:s26+$0xC440];
	v5 =	vmul.f32 v5, v22;
	v13 =	vsub.f32 v13, v17  }
0x98: {  	v4 =	vadd.f32 v8, v4;
	v11 =	vmul.f32 v11, v11;
	v7 =	vld [tilespmem:s26+$0x4420];
	v10 =	vadd.f32 v10, v9  }
0x99: {  	v14 =	vmul.f32 v15, v15;
	v9 =	vld [tilespmem:s26+$0xC420];
	(v2sf) =	vpush v1, $0x0;
	v13 =	vmul.f32 v13, v22  }
0x9a: {  	v4 =	vadd.f32 v12, v4;
	v5 =	vmul.f32 v5, v5;
	v8 =	vld [tilespmem:s26+$0x4400];
	v12 =	vadd.f32 v11, v10  }
0x9b: {  	v15 =	vmul.f32 v16, v16;
	v10 =	vld [tilespmem:s26+$0xC400]  }
0x9c: {  	v4 =	vadd.f32 v14, v4;
	v13 =	vmul.f32 v13, v13;
	v11 =	vld [tilespmem:s26+$0x4060];
	v5 =	vadd.f32 v5, v12  }
0x9d: {  	v14 =	vld [tilespmem:s26+$0xC060]  }
0x9e: {  	v4 =	vadd.f32 v15, v4;
	v12 =	vld [tilespmem:s26+$0x4040];
	v5 =	vadd.f32 v13, v5  }
0x9f: {  	v15 =	vld [tilespmem:s26+$0xC040]  }
.Ltmp1:
0xa0: {  	v16 =	vld [tilespmem:s26+$0x4020];
	(pc) =	sbr.rel @p0 .LBB2_5-.Ltmp1, $4  }
0xa1: {  	v17 =	vld [tilespmem:s26+$0xC020]  }
0xa2: {  	v13 =	vld [tilespmem:s26+$0x4030]  }
0xa3: {  	v18 =	vld [tilespmem:s26+$0x4000]  }
0xa4: {  	s29 =	sadd.s32 $0x100, s29;
	v19 =	vld [tilespmem:s26+$0xC000]  }
0xa5: {  	v20 =	vld [tilespmem:s26+$0x4010]  }
0xa6: {  	v21 =	vld [tilespmem:s26+$0xC010]  }
0xa7: {  	v0 =	vsub.f32 v0, v2;
	v2 =	vld [tilespmem:s26+$0xC030];
	v3 =	vsub.f32 v3, v6;
	v1 =	vbroadcast v1, $0x0  }
0xa8: {  	v7 =	vsub.f32 v7, v9;
	v37 =	vld [tilespmem:s26+$0x4050];
	v8 =	vsub.f32 v8, v10  }
0xa9: {  	v38 =	vsub.f32 v11, v14;
	v40 =	vsub.f32 v12, v15;
	v41 =	vld [tilespmem:s26+$0xC050];
	v3 =	vmul.f32 v3, v1  }
0xaa: {  	v43 =	vld [tilespmem:s26+$0x4070];
	v39 =	vsub.f32 v16, v17;
	v0 =	vmul.f32 v0, v1;
	v8 =	vmul.f32 v8, v1  }
0xab: {  	v45 =	vld [tilespmem:s26+$0xC070];
	v7 =	vmul.f32 v7, v1;
	v42 =	vsub.f32 v18, v19;
	v44 =	vsub.f32 v20, v21  }
0xac: {  	v46 =	vld [tilespmem:s26+$0x4410];
	v11 =	vmul.f32 v40, v1;
	v9 =	vmul.f32 v38, v1;
	v2 =	vsub.f32 v13, v2  }
0xad: {  	v47 =	vld [tilespmem:s26+$0xC410];
	v14 =	vmul.f32 v42, v1;
	v16 =	vmul.f32 v44, v1  }
0xae: {  	v48 =	vld [tilespmem:s26+$0x4430];
	v10 =	vmul.f32 v39, v1;
	v6 =	vsub.f32 v37, v41;
	v2 =	vmul.f32 v2, v1  }
0xaf: {  	v49 =	vld [tilespmem:s26+$0xC430];
	v14 =	vmul.f32 v14, v14;
	v16 =	vmul.f32 v16, v16  }
0xb0: {  	v50 =	vld [tilespmem:s26+$0x4450];
	v10 =	vmul.f32 v10, v10;
	v15 =	vsub.f32 v43, v45;
	v6 =	vmul.f32 v6, v1  }
0xb1: {  	v51 =	vld [tilespmem:s26+$0xC450];
	v2 =	vmul.f32 v2, v2;
	v4 =	vadd.f32 v14, v4;
	v5 =	vadd.f32 v16, v5  }
0xb2: {  	v52 =	vld [tilespmem:s26+$0x4470];
	v11 =	vmul.f32 v11, v11;
	v13 =	vsub.f32 v46, v47;
	v15 =	vmul.f32 v15, v1  }
0xb3: {  	v54 =	vld [tilespmem:s26+$0xC470];
	v53 =	vmul.f32 v6, v6;
	v4 =	vadd.f32 v10, v4;
	v2 =	vadd.f32 v2, v5  }
0xb4: {  	v9 =	vmul.f32 v9, v9;
	v12 =	vsub.f32 v48, v49;
	v55 =	vmul.f32 v13, v1  }
0xb5: {  	v56 =	vmul.f32 v15, v15;
	v4 =	vadd.f32 v11, v4;
	v2 =	vadd.f32 v53, v2  }
0xb6: {  	v8 =	vmul.f32 v8, v8;
	v58 =	vsub.f32 v50, v51;
	v57 =	vmul.f32 v12, v1  }
0xb7: {  	v59 =	vmul.f32 v55, v55;
	v4 =	vadd.f32 v9, v4;
	v2 =	vadd.f32 v56, v2  }
0xb8: {  	v7 =	vmul.f32 v7, v7;
	v60 =	vmul.f32 v58, v1;
	v6 =	vsub.f32 v52, v54  }
0xb9: {  	s24 =	sadd.s32 $0x1, s24;
	v61 =	vmul.f32 v57, v57;
	v4 =	vadd.f32 v8, v4;
	v2 =	vadd.f32 v59, v2  }
0xba: {  	p0 =	sne.s32 s24, $0x4;
	v3 =	vmul.f32 v3, v3;
	v62 =	vmul.f32 v60, v60  }
.Ltmp2:
0xbb: {  	v1 =	vmul.f32 v6, v1;
	v4 =	vadd.f32 v7, v4;
	v2 =	vadd.f32 v61, v2;
	(pc) =	sbr.rel @p0 .LBB2_2-.Ltmp2, $4  }
0xbc: {  	v0 =	vmul.f32 v0, v0  }
0xbd: {  	v63 =	vmul.f32 v1, v1;
	v3 =	vadd.f32 v3, v4;
	v2 =	vadd.f32 v62, v2  }
0xbe: {  	s0 =	spop (v2sf)  }
0xbf: {  	s22 =	sadd.s32 $0x80, s22;
	s23 =	sadd.s32 $0x80, s23;
	s25 =	sadd.f32 s0, s25;
	v1 =	vadd.f32 v0, v3;
	v0 =	vadd.f32 v63, v2  }
0xc0: {  	_ = 	snop  }
0xc1: {  	s21 =	sadd.s32 $0x1, s21;
	v0 =	vadd.f32 v0, v1;
	v63 =	vmov s25  }
0xc2: {  	p0 =	sne.s32 s21, s11;
	[tilespmem:$0x10290] =	vst v63  }
.Ltmp3:
0xc3: {  	[tilespmem:$0x10280] =	vst v0;
	(pc) =	sbr.rel @p0 .LBB2_1-.Ltmp3, $4  }
0xc4: {  	[hbm4b:s10+s4] =	stream.linear.scatter [tilespmem:s20], [sflag:$0x3], $0x80, $0x38;
	[tilespmem:$0x10300] =	vst v63  }
0xc5: {  	_ =	swait.ge [sflag:s14], $0x80  }
0xc6: {  	[sflag:s14] =	ssyncset.done $0x0  }
0xc7: {  	[sflag:s14] =	ssyncadd.s32 $0xFFFFFF80  }
0xc8: {  	_ =	sfence.sel $0x180000  }
0xc9: {  	[bflag:$0x0] =	sbarrier.arrive $0xFFFF  }
0xca: {  	_ =	strace $0x90000047  }
0xcb: {  	s0 =	stileid.u32;
	[bflag:$0x2] =	sbarrier.arrive $0xFFFF  }
0xcc: {  	p0 =	sne.s32 s0, $0x0;
	s0 =	rddreg [dreg:$0x3]  }
0xcd: {  	s0 =	sadd.s32 @!p0 $0x100000, s0  }
0xce: {  	[sflag:s0] =	ssyncadd.tile.s32 @!p0 $0x1;
	_ =	shalt  }
.Lfunc_end2:
_tile_overlayer_lowered:
.L_overlay_start_2:
0xcf: {  	(tag) =	ssettag $0x2  }
0xd0: {  	s0 =	rddreg [dreg:$0x0];
	s2 =	stileid.u32  }
0xd1: {  	s1 =	rddreg [dreg:$0x1];
	p0 =	sne.s32 s2, $0x0  }
0xd2: {  	s3 =	rddreg [dreg:$0x2];
	[bflag:$0x3] =	sbarrier.arrive $0xFFFF;
	s2 =	simm.s32 @!p0 $0x1C03  }
0xd3: {  	[timem:s3], [sflag:s2] =	dma.local @!p0 [hbm:s0], s1  }
0xd4: {  	s0 =	simm.s32 @!p0 $0x3  }
0xd5: {  	_ =	swait.ge @!p0 [sflag:s0], s1  }
0xd6: {  	s1 =	ssub.s32 @!p0 $0x0, s1;
	[sflag:s0] =	ssyncset.done @!p0 $0x0  }
0xd7: {  	[sflag:s0] =	ssyncadd.s32 @!p0 s1  }
0xd8: {  	[bflag:$0x3] =	sbarrier.arrive $0xFFFF  }
0xd9: {  	_ =	shalt  }

</sc_bundles>
